<compile_context>
chip_gen: v7x
topology: tpu7x:2x2x1
jax: 0.10.2.dev20260603
libtpu: 0.0.44.dev20260713+nightly
codegen_flags: <defaults>
</compile_context>

<pallas_src>
import functools

import jax
import jax.numpy as jnp
from jax import lax
from jax.experimental import pallas as pl
from jax.experimental.pallas import tpu as pltpu
from jax.experimental.pallas import tpu_sc as plsc

VOCAB = 1000000
EMBED = 32
SEQ = 50
BATCH = 16384
NUM_CORES = 2
NUM_SUBCORES = 16
DIMS_PER_CORE = EMBED // NUM_CORES
BLK = BATCH // NUM_SUBCORES
ROWS_PER_CHUNK = 5
GCHUNK = ROWS_PER_CHUNK * BLK
N_CHUNKS = SEQ // ROWS_PER_CHUNK


@jax.jit
def _dual_gather(src_t, tgt_t, src_idx_t, tgt_idx_t):
    mesh = plsc.VectorSubcoreMesh(core_axis_name="c", subcore_axis_name="s")

    @functools.partial(
        pl.kernel,
        out_type=(
            jax.ShapeDtypeStruct((SEQ, EMBED, BATCH), jnp.float32),
            jax.ShapeDtypeStruct((SEQ, EMBED, BATCH), jnp.float32),
        ),
        mesh=mesh,
        scratch_types=[
            pltpu.VMEM_SHARED((VOCAB,), jnp.float32),
            pltpu.VMEM((SEQ * BLK,), jnp.int32),
            pltpu.VMEM((GCHUNK,), jnp.float32),
            pltpu.VMEM((GCHUNK,), jnp.float32),
            pltpu.SemaphoreType.DMA,
            pltpu.SemaphoreType.DMA,
        ],
    )
    def body(src_tab, tgt_tab, src_idx, tgt_idx, src_out, tgt_out,
             row_sh, idx_v, g0, g1, sem0, sem1):
        cid = lax.axis_index("c")
        sid = lax.axis_index("s")
        b0 = sid * BLK
        bufs = (g0, g1)
        sems = (sem0, sem1)

        def do_table(tab, idx_hbm, out_hbm):
            def stage_idx(s, carry):
                pltpu.sync_copy(idx_hbm.at[s, pl.ds(b0, BLK)],
                                idx_v.at[pl.ds(s * BLK, BLK)])
                return carry

            lax.fori_loop(0, SEQ, stage_idx, 0)

            def dim_body(dl, carry):
                d = cid * DIMS_PER_CORE + dl

                plsc.subcore_barrier()

                @pl.when(sid == 0)
                def _():
                    pltpu.sync_copy(tab.at[d], row_sh)

                plsc.subcore_barrier()

                def gather(c, b):
                    pltpu.async_copy(
                        row_sh.at[idx_v.at[pl.ds(c * GCHUNK, GCHUNK)]],
                        bufs[b], sems[b])

                def wait_gather(b):
                    pltpu.make_async_copy(
                        row_sh.at[pl.ds(0, GCHUNK)], bufs[b],
                        sems[b]).wait()

                def writeout(c, b):
                    for r in range(ROWS_PER_CHUNK):
                        pltpu.sync_copy(
                            bufs[b].at[pl.ds(r * BLK, BLK)],
                            out_hbm.at[ROWS_PER_CHUNK * c + r, d,
                                       pl.ds(b0, BLK)])

                gather(0, 0)
                gather(1, 1)

                def pair_body(i, c2):
                    c0 = i * 2
                    for b in range(2):
                        c = c0 + b
                        wait_gather(b)
                        writeout(c, b)

                        @pl.when(c + 2 < N_CHUNKS)
                        def _():
                            gather(c + 2, b)

                    return c2

                lax.fori_loop(0, N_CHUNKS // 2, pair_body, 0)
                return carry

            lax.fori_loop(0, DIMS_PER_CORE, dim_body, 0)

        do_table(src_tab, src_idx, src_out)
        do_table(tgt_tab, tgt_idx, tgt_out)

    return body(src_t, tgt_t, src_idx_t, tgt_idx_t)


def kernel(src_table, tgt_table, src_indices, tgt_indices):
    src_out, tgt_out = _dual_gather(
        src_table.T, tgt_table.T, src_indices.T, tgt_indices.T)
    return (jnp.transpose(src_out, (2, 0, 1)),
            jnp.transpose(tgt_out, (2, 0, 1)))

# --- scband reference (transcript-rebuilt; emitter-appended) ---
"""Pipeline reference for scband-embedding-model-2516850835751 (READ-ONLY COPY).

The authoritative reference and input builder live on the scoring server;
editing this copy changes nothing except your own understanding.
"""

import jax, jax.numpy as jnp
import numpy as np

VOCAB_SRC = 1000000
VOCAB_TGT = 1000000
EMBED = 32
PAD_SRC = 0
PAD_TGT = 0

def setup_inputs(seed: int = 0) -> dict:
    key = jax.random.key(seed)
    k1, k2, k3, k4 = jax.random.split(key, 4)
    src_indices = jax.random.randint(k1, (16384, 50), 0, VOCAB_SRC, dtype=jnp.int64 if jax.config.jax_enable_x64 else jnp.int32).astype(jnp.int32)
    tgt_indices = jax.random.randint(k2, (16384, 50), 0, VOCAB_TGT, dtype=jnp.int32)
    src_table = jax.random.normal(k3, (VOCAB_SRC, EMBED), dtype=jnp.float32)
    tgt_table = jax.random.normal(k4, (VOCAB_TGT, EMBED), dtype=jnp.float32)
    # padding_idx rows are zero, matching nn.Embedding(padding_idx=...)
    src_table = src_table.at[PAD_SRC].set(0.0)
    tgt_table = tgt_table.at[PAD_TGT].set(0.0)
    return {"src_table": src_table, "tgt_table": tgt_table, "src_indices": src_indices, "tgt_indices": tgt_indices}

def reference(src_table, tgt_table, src_indices, tgt_indices):
    src_emb = jnp.take(src_table, src_indices, axis=0)
    tgt_emb = jnp.take(tgt_table, tgt_indices, axis=0)
    return (src_emb, tgt_emb)

if __name__ == "__main__":
    import jax
    _d = setup_inputs()
    print(jax.jit(kernel)(*tuple(_d.values())))

</pallas_src>

<mosaic_0001>
#map = affine_map<(d0, d1) -> (0, 0)>
#map1 = affine_map<(d0, d1) -> (0, 0, 0)>
module attributes {stable_mosaic.version = 14 : i64} {
  func.func @body(%arg0: i32, %arg1: i32, %arg2: memref<32x1000000xf32, #tpu.memory_space<hbm>>, %arg3: memref<32x1000000xf32, #tpu.memory_space<hbm>>, %arg4: memref<50x16384xi32, #tpu.memory_space<hbm>>, %arg5: memref<50x16384xi32, #tpu.memory_space<hbm>>, %arg6: memref<50x32x16384xf32, #tpu.memory_space<hbm>>, %arg7: memref<50x32x16384xf32, #tpu.memory_space<hbm>>, %arg8: memref<1000000xf32, #tpu.memory_space<vmem_shared>>, %arg9: memref<51200xi32, #tpu.memory_space<vmem>>, %arg10: memref<5120xf32, #tpu.memory_space<vmem>>, %arg11: memref<5120xf32, #tpu.memory_space<vmem>>, %arg12: memref<!tpu.dma_semaphore, #tpu.memory_space<semaphore_mem>>, %arg13: memref<!tpu.dma_semaphore, #tpu.memory_space<semaphore_mem>>) attributes {dimension_semantics = [#tpu.dimension_semantics<core_parallel>, #tpu.dimension_semantics<subcore_parallel>], iteration_bounds = array<i64: 2, 16>, scalar_prefetch = 0 : i64, scratch_operands = 6 : i64, tpu.core_type = #tpu.core_type<sc_vector_subcore>, window_params = [{transform_indices = #map}, {transform_indices = #map}, {transform_indices = #map}, {transform_indices = #map}, {transform_indices = #map1}, {transform_indices = #map1}]} {
    %mul3A = arith.constant 1024 : i32
    %mul3A_0 = arith.muli %arg1, %mul3A : i32
    %scan3A = arith.constant 0 : i32
    %scan3A_1 = arith.constant 0 : i32
    %scan3A_2 = arith.constant 50 : i32
    %scan3A_3 = arith.addi %scan3A_1, %scan3A_2 : i32
    %scan3A_4 = arith.constant 1 : i32
    scf.for %scan3A_24 = %scan3A_1 to %scan3A_3 step %scan3A_4  : i32 {
      %mul3A_25 = arith.constant 1024 : i32
      %mul3A_26 = arith.muli %scan3A_24, %mul3A_25 : i32
      "tpu.region"() ({
        %run_scoped3A = tpu.sem_alloc : memref<!tpu.dma_semaphore, #tpu.memory_space<semaphore_mem>>
        %dma_start3A = tpu.memref_slice %arg9[%mul3A_26] : memref<51200xi32, #tpu.memory_space<vmem>> -> memref<1024xi32, #tpu.memory_space<vmem>>
        %dma_start3A_27 = tpu.memref_slice %arg4[%scan3A_24, %mul3A_0] : memref<50x16384xi32, #tpu.memory_space<hbm>> -> memref<1x1024xi32, #tpu.memory_space<hbm>>
        %dma_start3A_28 = tpu.memref_squeeze %dma_start3A_27 : memref<1x1024xi32, #tpu.memory_space<hbm>> -> memref<1024xi32, #tpu.memory_space<hbm>>
        %dma_start3A_29 = tpu.memref_slice %arg9[%mul3A_26] : memref<51200xi32, #tpu.memory_space<vmem>> -> memref<1024xi32, #tpu.memory_space<vmem>>
        %dma_start3A_30 = tpu.memref_slice %arg4[%scan3A_24, %mul3A_0] : memref<50x16384xi32, #tpu.memory_space<hbm>> -> memref<1x1024xi32, #tpu.memory_space<hbm>>
        %dma_start3A_31 = tpu.memref_squeeze %dma_start3A_30 : memref<1x1024xi32, #tpu.memory_space<hbm>> -> memref<1024xi32, #tpu.memory_space<hbm>>
        tpu.enqueue_dma source(%dma_start3A_31 : memref<1024xi32, #tpu.memory_space<hbm>>) target(%dma_start3A_29 : memref<1024xi32, #tpu.memory_space<vmem>>) target_semaphore(%run_scoped3A : memref<!tpu.dma_semaphore, #tpu.memory_space<semaphore_mem>>)
        %dma_wait3A = tpu.memref_slice %arg9[%mul3A_26] : memref<51200xi32, #tpu.memory_space<vmem>> -> memref<1024xi32, #tpu.memory_space<vmem>>
        %dma_wait3A_32 = tpu.memref_slice %arg4[%scan3A_24, %mul3A_0] : memref<50x16384xi32, #tpu.memory_space<hbm>> -> memref<1x1024xi32, #tpu.memory_space<hbm>>
        %dma_wait3A_33 = tpu.memref_squeeze %dma_wait3A_32 : memref<1x1024xi32, #tpu.memory_space<hbm>> -> memref<1024xi32, #tpu.memory_space<hbm>>
        %dma_wait3A_34 = tpu.memref_slice %arg9[%mul3A_26] : memref<51200xi32, #tpu.memory_space<vmem>> -> memref<1024xi32, #tpu.memory_space<vmem>>
        %dma_wait3A_35 = tpu.memref_slice %arg4[%scan3A_24, %mul3A_0] : memref<50x16384xi32, #tpu.memory_space<hbm>> -> memref<1x1024xi32, #tpu.memory_space<hbm>>
        %dma_wait3A_36 = tpu.memref_squeeze %dma_wait3A_35 : memref<1x1024xi32, #tpu.memory_space<hbm>> -> memref<1024xi32, #tpu.memory_space<hbm>>
        tpu.wait_dma2 semaphore(%run_scoped3A : memref<!tpu.dma_semaphore, #tpu.memory_space<semaphore_mem>>) src(%dma_wait3A_36 : memref<1024xi32, #tpu.memory_space<hbm>>) dst(%dma_wait3A_34 : memref<1024xi32, #tpu.memory_space<vmem>>)
        tpu.yield
      }) : () -> ()
    }
    %scan3A_5 = arith.constant 50 : i32
    %scan3A_6 = arith.constant 0 : i32
    %scan3A_7 = arith.constant 0 : i32
    %scan3A_8 = arith.constant 16 : i32
    %scan3A_9 = arith.addi %scan3A_7, %scan3A_8 : i32
    %scan3A_10 = arith.constant 1 : i32
    scf.for %scan3A_24 = %scan3A_7 to %scan3A_9 step %scan3A_10  : i32 {
      %mul3A_25 = arith.constant 16 : i32
      %mul3A_26 = arith.muli %arg0, %mul3A_25 : i32
      %add3A = arith.addi %mul3A_26, %scan3A_24 : i32
      %barrier3A = arith.constant 0 : index
      tpu.barrier barrier_id(%barrier3A)
      %eq3A = arith.constant 0 : i32
      %eq3A_27 = arith.cmpi eq, %arg1, %eq3A : i32
      %convert_element_type3A = arith.extui %eq3A_27 : i1 to i32
      %cond3A = arith.constant 0 : i32
      %cond3A_28 = arith.cmpi ne, %convert_element_type3A, %cond3A : i32
      scf.if %cond3A_28 {
        "tpu.region"() ({
          %run_scoped3A = tpu.sem_alloc : memref<!tpu.dma_semaphore, #tpu.memory_space<semaphore_mem>>
          %dma_start3A_43 = arith.constant 0 : i32
          %dma_start3A_44 = tpu.memref_slice %arg2[%add3A, %dma_start3A_43] : memref<32x1000000xf32, #tpu.memory_space<hbm>> -> memref<1x1000000xf32, #tpu.memory_space<hbm>>
          %dma_start3A_45 = tpu.memref_squeeze %dma_start3A_44 : memref<1x1000000xf32, #tpu.memory_space<hbm>> -> memref<1000000xf32, #tpu.memory_space<hbm>>
          tpu.enqueue_dma source(%dma_start3A_45 : memref<1000000xf32, #tpu.memory_space<hbm>>) target(%arg8 : memref<1000000xf32, #tpu.memory_space<vmem_shared>>) target_semaphore(%run_scoped3A : memref<!tpu.dma_semaphore, #tpu.memory_space<semaphore_mem>>)
          %dma_wait3A = arith.constant 0 : i32
          %dma_wait3A_46 = tpu.memref_slice %arg2[%add3A, %dma_wait3A] : memref<32x1000000xf32, #tpu.memory_space<hbm>> -> memref<1x1000000xf32, #tpu.memory_space<hbm>>
          %dma_wait3A_47 = tpu.memref_squeeze %dma_wait3A_46 : memref<1x1000000xf32, #tpu.memory_space<hbm>> -> memref<1000000xf32, #tpu.memory_space<hbm>>
          tpu.wait_dma2 semaphore(%run_scoped3A : memref<!tpu.dma_semaphore, #tpu.memory_space<semaphore_mem>>) src(%dma_wait3A_47 : memref<1000000xf32, #tpu.memory_space<hbm>>) dst(%arg8 : memref<1000000xf32, #tpu.memory_space<vmem_shared>>)
          tpu.yield
        }) : () -> ()
      } else {
      }
      %barrier3A_29 = arith.constant 0 : index
      tpu.barrier barrier_id(%barrier3A_29)
      %dma_start3A = arith.constant 0 : i32
      %dma_start3A_30 = tpu.memref_slice %arg9[%dma_start3A] : memref<51200xi32, #tpu.memory_space<vmem>> -> memref<5120xi32, #tpu.memory_space<vmem>>
      %dma_start3A_31 = arith.constant 0 : i32
      %dma_start3A_32 = tpu.memref_slice %arg8[%dma_start3A_31] : memref<1000000xf32, #tpu.memory_space<vmem_shared>> -> memref<1000000xf32, #tpu.memory_space<vmem_shared>>
      tpu.enqueue_indirect_dma source(%dma_start3A_32 : memref<1000000xf32, #tpu.memory_space<vmem_shared>>) target(%arg10 : memref<5120xf32, #tpu.memory_space<vmem>>) offsets(%dma_start3A_30 : memref<5120xi32, #tpu.memory_space<vmem>>) semaphore(%arg12 : memref<!tpu.dma_semaphore, #tpu.memory_space<semaphore_mem>>)
      %dma_start3A_33 = arith.constant 5120 : i32
      %dma_start3A_34 = tpu.memref_slice %arg9[%dma_start3A_33] : memref<51200xi32, #tpu.memory_space<vmem>> -> memref<5120xi32, #tpu.memory_space<vmem>>
      %dma_start3A_35 = arith.constant 0 : i32
      %dma_start3A_36 = tpu.memref_slice %arg8[%dma_start3A_35] : memref<1000000xf32, #tpu.memory_space<vmem_shared>> -> memref<1000000xf32, #tpu.memory_space<vmem_shared>>
      tpu.enqueue_indirect_dma source(%dma_start3A_36 : memref<1000000xf32, #tpu.memory_space<vmem_shared>>) target(%arg11 : memref<5120xf32, #tpu.memory_space<vmem>>) offsets(%dma_start3A_34 : memref<5120xi32, #tpu.memory_space<vmem>>) semaphore(%arg13 : memref<!tpu.dma_semaphore, #tpu.memory_space<semaphore_mem>>)
      %scan3A_37 = arith.constant 0 : i32
      %scan3A_38 = arith.constant 0 : i32
      %scan3A_39 = arith.constant 5 : i32
      %scan3A_40 = arith.addi %scan3A_38, %scan3A_39 : i32
      %scan3A_41 = arith.constant 1 : i32
      scf.for %scan3A_43 = %scan3A_38 to %scan3A_40 step %scan3A_41  : i32 {
        %mul3A_44 = arith.constant 2 : i32
        %mul3A_45 = arith.muli %scan3A_43, %mul3A_44 : i32
        %add3A_46 = arith.constant 0 : i32
        %add3A_47 = arith.addi %mul3A_45, %add3A_46 : i32
        %dma_wait3A = arith.constant 0 : i32
        %dma_wait3A_48 = tpu.memref_slice %arg8[%dma_wait3A] : memref<1000000xf32, #tpu.memory_space<vmem_shared>> -> memref<5120xf32, #tpu.memory_space<vmem_shared>>
        %dma_wait3A_49 = arith.constant 0 : i32
        %dma_wait3A_50 = tpu.memref_slice %arg8[%dma_wait3A_49] : memref<1000000xf32, #tpu.memory_space<vmem_shared>> -> memref<5120xf32, #tpu.memory_space<vmem_shared>>
        tpu.wait_dma2 semaphore(%arg12 : memref<!tpu.dma_semaphore, #tpu.memory_space<semaphore_mem>>) src(%dma_wait3A_50 : memref<5120xf32, #tpu.memory_space<vmem_shared>>) dst(%arg10 : memref<5120xf32, #tpu.memory_space<vmem>>)
        %mul3A_51 = arith.constant 5 : i32
        %mul3A_52 = arith.muli %mul3A_51, %add3A_47 : i32
        %add3A_53 = arith.constant 0 : i32
        %add3A_54 = arith.addi %mul3A_52, %add3A_53 : i32
        "tpu.region"() ({
          %run_scoped3A = tpu.sem_alloc : memref<!tpu.dma_semaphore, #tpu.memory_space<semaphore_mem>>
          %dma_start3A_110 = arith.constant 0 : i32
          %dma_start3A_111 = tpu.memref_slice %arg10[%dma_start3A_110] : memref<5120xf32, #tpu.memory_space<vmem>> -> memref<1024xf32, #tpu.memory_space<vmem>>
          %dma_start3A_112 = tpu.memref_slice %arg6[%add3A_54, %add3A, %mul3A_0] : memref<50x32x16384xf32, #tpu.memory_space<hbm>> -> memref<1x1x1024xf32, #tpu.memory_space<hbm>>
          %dma_start3A_113 = tpu.memref_squeeze %dma_start3A_112 : memref<1x1x1024xf32, #tpu.memory_space<hbm>> -> memref<1024xf32, #tpu.memory_space<hbm>>
          %dma_start3A_114 = tpu.memref_slice %arg6[%add3A_54, %add3A, %mul3A_0] : memref<50x32x16384xf32, #tpu.memory_space<hbm>> -> memref<1x1x1024xf32, #tpu.memory_space<hbm>>
          %dma_start3A_115 = tpu.memref_squeeze %dma_start3A_114 : memref<1x1x1024xf32, #tpu.memory_space<hbm>> -> memref<1024xf32, #tpu.memory_space<hbm>>
          %dma_start3A_116 = arith.constant 0 : i32
          %dma_start3A_117 = tpu.memref_slice %arg10[%dma_start3A_116] : memref<5120xf32, #tpu.memory_space<vmem>> -> memref<1024xf32, #tpu.memory_space<vmem>>
          tpu.enqueue_dma source(%dma_start3A_117 : memref<1024xf32, #tpu.memory_space<vmem>>) target(%dma_start3A_115 : memref<1024xf32, #tpu.memory_space<hbm>>) target_semaphore(%run_scoped3A : memref<!tpu.dma_semaphore, #tpu.memory_space<semaphore_mem>>)
          %dma_wait3A_118 = arith.constant 0 : i32
          %dma_wait3A_119 = tpu.memref_slice %arg10[%dma_wait3A_118] : memref<5120xf32, #tpu.memory_space<vmem>> -> memref<1024xf32, #tpu.memory_space<vmem>>
          %dma_wait3A_120 = tpu.memref_slice %arg6[%add3A_54, %add3A, %mul3A_0] : memref<50x32x16384xf32, #tpu.memory_space<hbm>> -> memref<1x1x1024xf32, #tpu.memory_space<hbm>>
          %dma_wait3A_121 = tpu.memref_squeeze %dma_wait3A_120 : memref<1x1x1024xf32, #tpu.memory_space<hbm>> -> memref<1024xf32, #tpu.memory_space<hbm>>
          %dma_wait3A_122 = tpu.memref_slice %arg6[%add3A_54, %add3A, %mul3A_0] : memref<50x32x16384xf32, #tpu.memory_space<hbm>> -> memref<1x1x1024xf32, #tpu.memory_space<hbm>>
          %dma_wait3A_123 = tpu.memref_squeeze %dma_wait3A_122 : memref<1x1x1024xf32, #tpu.memory_space<hbm>> -> memref<1024xf32, #tpu.memory_space<hbm>>
          %dma_wait3A_124 = arith.constant 0 : i32
          %dma_wait3A_125 = tpu.memref_slice %arg10[%dma_wait3A_124] : memref<5120xf32, #tpu.memory_space<vmem>> -> memref<1024xf32, #tpu.memory_space<vmem>>
          tpu.wait_dma2 semaphore(%run_scoped3A : memref<!tpu.dma_semaphore, #tpu.memory_space<semaphore_mem>>) src(%dma_wait3A_125 : memref<1024xf32, #tpu.memory_space<vmem>>) dst(%dma_wait3A_123 : memref<1024xf32, #tpu.memory_space<hbm>>)
          tpu.yield
        }) : () -> ()
        %mul3A_55 = arith.constant 5 : i32
        %mul3A_56 = arith.muli %mul3A_55, %add3A_47 : i32
        %add3A_57 = arith.constant 1 : i32
        %add3A_58 = arith.addi %mul3A_56, %add3A_57 : i32
        "tpu.region"() ({
          %run_scoped3A = tpu.sem_alloc : memref<!tpu.dma_semaphore, #tpu.memory_space<semaphore_mem>>
          %dma_start3A_110 = arith.constant 1024 : i32
          %dma_start3A_111 = tpu.memref_slice %arg10[%dma_start3A_110] : memref<5120xf32, #tpu.memory_space<vmem>> -> memref<1024xf32, #tpu.memory_space<vmem>>
          %dma_start3A_112 = tpu.memref_slice %arg6[%add3A_58, %add3A, %mul3A_0] : memref<50x32x16384xf32, #tpu.memory_space<hbm>> -> memref<1x1x1024xf32, #tpu.memory_space<hbm>>
          %dma_start3A_113 = tpu.memref_squeeze %dma_start3A_112 : memref<1x1x1024xf32, #tpu.memory_space<hbm>> -> memref<1024xf32, #tpu.memory_space<hbm>>
          %dma_start3A_114 = tpu.memref_slice %arg6[%add3A_58, %add3A, %mul3A_0] : memref<50x32x16384xf32, #tpu.memory_space<hbm>> -> memref<1x1x1024xf32, #tpu.memory_space<hbm>>
          %dma_start3A_115 = tpu.memref_squeeze %dma_start3A_114 : memref<1x1x1024xf32, #tpu.memory_space<hbm>> -> memref<1024xf32, #tpu.memory_space<hbm>>
          %dma_start3A_116 = arith.constant 1024 : i32
          %dma_start3A_117 = tpu.memref_slice %arg10[%dma_start3A_116] : memref<5120xf32, #tpu.memory_space<vmem>> -> memref<1024xf32, #tpu.memory_space<vmem>>
          tpu.enqueue_dma source(%dma_start3A_117 : memref<1024xf32, #tpu.memory_space<vmem>>) target(%dma_start3A_115 : memref<1024xf32, #tpu.memory_space<hbm>>) target_semaphore(%run_scoped3A : memref<!tpu.dma_semaphore, #tpu.memory_space<semaphore_mem>>)
          %dma_wait3A_118 = arith.constant 1024 : i32
          %dma_wait3A_119 = tpu.memref_slice %arg10[%dma_wait3A_118] : memref<5120xf32, #tpu.memory_space<vmem>> -> memref<1024xf32, #tpu.memory_space<vmem>>
          %dma_wait3A_120 = tpu.memref_slice %arg6[%add3A_58, %add3A, %mul3A_0] : memref<50x32x16384xf32, #tpu.memory_space<hbm>> -> memref<1x1x1024xf32, #tpu.memory_space<hbm>>
          %dma_wait3A_121 = tpu.memref_squeeze %dma_wait3A_120 : memref<1x1x1024xf32, #tpu.memory_space<hbm>> -> memref<1024xf32, #tpu.memory_space<hbm>>
          %dma_wait3A_122 = tpu.memref_slice %arg6[%add3A_58, %add3A, %mul3A_0] : memref<50x32x16384xf32, #tpu.memory_space<hbm>> -> memref<1x1x1024xf32, #tpu.memory_space<hbm>>
          %dma_wait3A_123 = tpu.memref_squeeze %dma_wait3A_122 : memref<1x1x1024xf32, #tpu.memory_space<hbm>> -> memref<1024xf32, #tpu.memory_space<hbm>>
          %dma_wait3A_124 = arith.constant 1024 : i32
          %dma_wait3A_125 = tpu.memref_slice %arg10[%dma_wait3A_124] : memref<5120xf32, #tpu.memory_space<vmem>> -> memref<1024xf32, #tpu.memory_space<vmem>>
          tpu.wait_dma2 semaphore(%run_scoped3A : memref<!tpu.dma_semaphore, #tpu.memory_space<semaphore_mem>>) src(%dma_wait3A_125 : memref<1024xf32, #tpu.memory_space<vmem>>) dst(%dma_wait3A_123 : memref<1024xf32, #tpu.memory_space<hbm>>)
          tpu.yield
        }) : () -> ()
        %mul3A_59 = arith.constant 5 : i32
        %mul3A_60 = arith.muli %mul3A_59, %add3A_47 : i32
        %add3A_61 = arith.constant 2 : i32
        %add3A_62 = arith.addi %mul3A_60, %add3A_61 : i32
        "tpu.region"() ({
          %run_scoped3A = tpu.sem_alloc : memref<!tpu.dma_semaphore, #tpu.memory_space<semaphore_mem>>
          %dma_start3A_110 = arith.constant 2048 : i32
          %dma_start3A_111 = tpu.memref_slice %arg10[%dma_start3A_110] : memref<5120xf32, #tpu.memory_space<vmem>> -> memref<1024xf32, #tpu.memory_space<vmem>>
          %dma_start3A_112 = tpu.memref_slice %arg6[%add3A_62, %add3A, %mul3A_0] : memref<50x32x16384xf32, #tpu.memory_space<hbm>> -> memref<1x1x1024xf32, #tpu.memory_space<hbm>>
          %dma_start3A_113 = tpu.memref_squeeze %dma_start3A_112 : memref<1x1x1024xf32, #tpu.memory_space<hbm>> -> memref<1024xf32, #tpu.memory_space<hbm>>
          %dma_start3A_114 = tpu.memref_slice %arg6[%add3A_62, %add3A, %mul3A_0] : memref<50x32x16384xf32, #tpu.memory_space<hbm>> -> memref<1x1x1024xf32, #tpu.memory_space<hbm>>
          %dma_start3A_115 = tpu.memref_squeeze %dma_start3A_114 : memref<1x1x1024xf32, #tpu.memory_space<hbm>> -> memref<1024xf32, #tpu.memory_space<hbm>>
          %dma_start3A_116 = arith.constant 2048 : i32
          %dma_start3A_117 = tpu.memref_slice %arg10[%dma_start3A_116] : memref<5120xf32, #tpu.memory_space<vmem>> -> memref<1024xf32, #tpu.memory_space<vmem>>
          tpu.enqueue_dma source(%dma_start3A_117 : memref<1024xf32, #tpu.memory_space<vmem>>) target(%dma_start3A_115 : memref<1024xf32, #tpu.memory_space<hbm>>) target_semaphore(%run_scoped3A : memref<!tpu.dma_semaphore, #tpu.memory_space<semaphore_mem>>)
          %dma_wait3A_118 = arith.constant 2048 : i32
          %dma_wait3A_119 = tpu.memref_slice %arg10[%dma_wait3A_118] : memref<5120xf32, #tpu.memory_space<vmem>> -> memref<1024xf32, #tpu.memory_space<vmem>>
          %dma_wait3A_120 = tpu.memref_slice %arg6[%add3A_62, %add3A, %mul3A_0] : memref<50x32x16384xf32, #tpu.memory_space<hbm>> -> memref<1x1x1024xf32, #tpu.memory_space<hbm>>
          %dma_wait3A_121 = tpu.memref_squeeze %dma_wait3A_120 : memref<1x1x1024xf32, #tpu.memory_space<hbm>> -> memref<1024xf32, #tpu.memory_space<hbm>>
          %dma_wait3A_122 = tpu.memref_slice %arg6[%add3A_62, %add3A, %mul3A_0] : memref<50x32x16384xf32, #tpu.memory_space<hbm>> -> memref<1x1x1024xf32, #tpu.memory_space<hbm>>
          %dma_wait3A_123 = tpu.memref_squeeze %dma_wait3A_122 : memref<1x1x1024xf32, #tpu.memory_space<hbm>> -> memref<1024xf32, #tpu.memory_space<hbm>>
          %dma_wait3A_124 = arith.constant 2048 : i32
          %dma_wait3A_125 = tpu.memref_slice %arg10[%dma_wait3A_124] : memref<5120xf32, #tpu.memory_space<vmem>> -> memref<1024xf32, #tpu.memory_space<vmem>>
          tpu.wait_dma2 semaphore(%run_scoped3A : memref<!tpu.dma_semaphore, #tpu.memory_space<semaphore_mem>>) src(%dma_wait3A_125 : memref<1024xf32, #tpu.memory_space<vmem>>) dst(%dma_wait3A_123 : memref<1024xf32, #tpu.memory_space<hbm>>)
          tpu.yield
        }) : () -> ()
        %mul3A_63 = arith.constant 5 : i32
        %mul3A_64 = arith.muli %mul3A_63, %add3A_47 : i32
        %add3A_65 = arith.constant 3 : i32
        %add3A_66 = arith.addi %mul3A_64, %add3A_65 : i32
        "tpu.region"() ({
          %run_scoped3A = tpu.sem_alloc : memref<!tpu.dma_semaphore, #tpu.memory_space<semaphore_mem>>
          %dma_start3A_110 = arith.constant 3072 : i32
          %dma_start3A_111 = tpu.memref_slice %arg10[%dma_start3A_110] : memref<5120xf32, #tpu.memory_space<vmem>> -> memref<1024xf32, #tpu.memory_space<vmem>>
          %dma_start3A_112 = tpu.memref_slice %arg6[%add3A_66, %add3A, %mul3A_0] : memref<50x32x16384xf32, #tpu.memory_space<hbm>> -> memref<1x1x1024xf32, #tpu.memory_space<hbm>>
          %dma_start3A_113 = tpu.memref_squeeze %dma_start3A_112 : memref<1x1x1024xf32, #tpu.memory_space<hbm>> -> memref<1024xf32, #tpu.memory_space<hbm>>
          %dma_start3A_114 = tpu.memref_slice %arg6[%add3A_66, %add3A, %mul3A_0] : memref<50x32x16384xf32, #tpu.memory_space<hbm>> -> memref<1x1x1024xf32, #tpu.memory_space<hbm>>
          %dma_start3A_115 = tpu.memref_squeeze %dma_start3A_114 : memref<1x1x1024xf32, #tpu.memory_space<hbm>> -> memref<1024xf32, #tpu.memory_space<hbm>>
          %dma_start3A_116 = arith.constant 3072 : i32
          %dma_start3A_117 = tpu.memref_slice %arg10[%dma_start3A_116] : memref<5120xf32, #tpu.memory_space<vmem>> -> memref<1024xf32, #tpu.memory_space<vmem>>
          tpu.enqueue_dma source(%dma_start3A_117 : memref<1024xf32, #tpu.memory_space<vmem>>) target(%dma_start3A_115 : memref<1024xf32, #tpu.memory_space<hbm>>) target_semaphore(%run_scoped3A : memref<!tpu.dma_semaphore, #tpu.memory_space<semaphore_mem>>)
          %dma_wait3A_118 = arith.constant 3072 : i32
          %dma_wait3A_119 = tpu.memref_slice %arg10[%dma_wait3A_118] : memref<5120xf32, #tpu.memory_space<vmem>> -> memref<1024xf32, #tpu.memory_space<vmem>>
          %dma_wait3A_120 = tpu.memref_slice %arg6[%add3A_66, %add3A, %mul3A_0] : memref<50x32x16384xf32, #tpu.memory_space<hbm>> -> memref<1x1x1024xf32, #tpu.memory_space<hbm>>
          %dma_wait3A_121 = tpu.memref_squeeze %dma_wait3A_120 : memref<1x1x1024xf32, #tpu.memory_space<hbm>> -> memref<1024xf32, #tpu.memory_space<hbm>>
          %dma_wait3A_122 = tpu.memref_slice %arg6[%add3A_66, %add3A, %mul3A_0] : memref<50x32x16384xf32, #tpu.memory_space<hbm>> -> memref<1x1x1024xf32, #tpu.memory_space<hbm>>
          %dma_wait3A_123 = tpu.memref_squeeze %dma_wait3A_122 : memref<1x1x1024xf32, #tpu.memory_space<hbm>> -> memref<1024xf32, #tpu.memory_space<hbm>>
          %dma_wait3A_124 = arith.constant 3072 : i32
          %dma_wait3A_125 = tpu.memref_slice %arg10[%dma_wait3A_124] : memref<5120xf32, #tpu.memory_space<vmem>> -> memref<1024xf32, #tpu.memory_space<vmem>>
          tpu.wait_dma2 semaphore(%run_scoped3A : memref<!tpu.dma_semaphore, #tpu.memory_space<semaphore_mem>>) src(%dma_wait3A_125 : memref<1024xf32, #tpu.memory_space<vmem>>) dst(%dma_wait3A_123 : memref<1024xf32, #tpu.memory_space<hbm>>)
          tpu.yield
        }) : () -> ()
        %mul3A_67 = arith.constant 5 : i32
        %mul3A_68 = arith.muli %mul3A_67, %add3A_47 : i32
        %add3A_69 = arith.constant 4 : i32
        %add3A_70 = arith.addi %mul3A_68, %add3A_69 : i32
        "tpu.region"() ({
          %run_scoped3A = tpu.sem_alloc : memref<!tpu.dma_semaphore, #tpu.memory_space<semaphore_mem>>
          %dma_start3A_110 = arith.constant 4096 : i32
          %dma_start3A_111 = tpu.memref_slice %arg10[%dma_start3A_110] : memref<5120xf32, #tpu.memory_space<vmem>> -> memref<1024xf32, #tpu.memory_space<vmem>>
          %dma_start3A_112 = tpu.memref_slice %arg6[%add3A_70, %add3A, %mul3A_0] : memref<50x32x16384xf32, #tpu.memory_space<hbm>> -> memref<1x1x1024xf32, #tpu.memory_space<hbm>>
          %dma_start3A_113 = tpu.memref_squeeze %dma_start3A_112 : memref<1x1x1024xf32, #tpu.memory_space<hbm>> -> memref<1024xf32, #tpu.memory_space<hbm>>
          %dma_start3A_114 = tpu.memref_slice %arg6[%add3A_70, %add3A, %mul3A_0] : memref<50x32x16384xf32, #tpu.memory_space<hbm>> -> memref<1x1x1024xf32, #tpu.memory_space<hbm>>
          %dma_start3A_115 = tpu.memref_squeeze %dma_start3A_114 : memref<1x1x1024xf32, #tpu.memory_space<hbm>> -> memref<1024xf32, #tpu.memory_space<hbm>>
          %dma_start3A_116 = arith.constant 4096 : i32
          %dma_start3A_117 = tpu.memref_slice %arg10[%dma_start3A_116] : memref<5120xf32, #tpu.memory_space<vmem>> -> memref<1024xf32, #tpu.memory_space<vmem>>
          tpu.enqueue_dma source(%dma_start3A_117 : memref<1024xf32, #tpu.memory_space<vmem>>) target(%dma_start3A_115 : memref<1024xf32, #tpu.memory_space<hbm>>) target_semaphore(%run_scoped3A : memref<!tpu.dma_semaphore, #tpu.memory_space<semaphore_mem>>)
          %dma_wait3A_118 = arith.constant 4096 : i32
          %dma_wait3A_119 = tpu.memref_slice %arg10[%dma_wait3A_118] : memref<5120xf32, #tpu.memory_space<vmem>> -> memref<1024xf32, #tpu.memory_space<vmem>>
          %dma_wait3A_120 = tpu.memref_slice %arg6[%add3A_70, %add3A, %mul3A_0] : memref<50x32x16384xf32, #tpu.memory_space<hbm>> -> memref<1x1x1024xf32, #tpu.memory_space<hbm>>
          %dma_wait3A_121 = tpu.memref_squeeze %dma_wait3A_120 : memref<1x1x1024xf32, #tpu.memory_space<hbm>> -> memref<1024xf32, #tpu.memory_space<hbm>>
          %dma_wait3A_122 = tpu.memref_slice %arg6[%add3A_70, %add3A, %mul3A_0] : memref<50x32x16384xf32, #tpu.memory_space<hbm>> -> memref<1x1x1024xf32, #tpu.memory_space<hbm>>
          %dma_wait3A_123 = tpu.memref_squeeze %dma_wait3A_122 : memref<1x1x1024xf32, #tpu.memory_space<hbm>> -> memref<1024xf32, #tpu.memory_space<hbm>>
          %dma_wait3A_124 = arith.constant 4096 : i32
          %dma_wait3A_125 = tpu.memref_slice %arg10[%dma_wait3A_124] : memref<5120xf32, #tpu.memory_space<vmem>> -> memref<1024xf32, #tpu.memory_space<vmem>>
          tpu.wait_dma2 semaphore(%run_scoped3A : memref<!tpu.dma_semaphore, #tpu.memory_space<semaphore_mem>>) src(%dma_wait3A_125 : memref<1024xf32, #tpu.memory_space<vmem>>) dst(%dma_wait3A_123 : memref<1024xf32, #tpu.memory_space<hbm>>)
          tpu.yield
        }) : () -> ()
        %add3A_71 = arith.constant 2 : i32
        %add3A_72 = arith.addi %add3A_47, %add3A_71 : i32
        %lt3A = arith.constant 10 : i32
        %lt3A_73 = arith.cmpi slt, %add3A_72, %lt3A : i32
        %convert_element_type3A_74 = arith.extui %lt3A_73 : i1 to i32
        %cond3A_75 = arith.constant 0 : i32
        %cond3A_76 = arith.cmpi ne, %convert_element_type3A_74, %cond3A_75 : i32
        scf.if %cond3A_76 {
          %add3A_110 = arith.constant 2 : i32
          %add3A_111 = arith.addi %add3A_47, %add3A_110 : i32
          %mul3A_112 = arith.constant 5120 : i32
          %mul3A_113 = arith.muli %add3A_111, %mul3A_112 : i32
          %dma_start3A_114 = tpu.memref_slice %arg9[%mul3A_113] : memref<51200xi32, #tpu.memory_space<vmem>> -> memref<5120xi32, #tpu.memory_space<vmem>>
          %dma_start3A_115 = arith.constant 0 : i32
          %dma_start3A_116 = tpu.memref_slice %arg8[%dma_start3A_115] : memref<1000000xf32, #tpu.memory_space<vmem_shared>> -> memref<1000000xf32, #tpu.memory_space<vmem_shared>>
          tpu.enqueue_indirect_dma source(%dma_start3A_116 : memref<1000000xf32, #tpu.memory_space<vmem_shared>>) target(%arg10 : memref<5120xf32, #tpu.memory_space<vmem>>) offsets(%dma_start3A_114 : memref<5120xi32, #tpu.memory_space<vmem>>) semaphore(%arg12 : memref<!tpu.dma_semaphore, #tpu.memory_space<semaphore_mem>>)
        } else {
        }
        %add3A_77 = arith.constant 1 : i32
        %add3A_78 = arith.addi %mul3A_45, %add3A_77 : i32
        %dma_wait3A_79 = arith.constant 0 : i32
        %dma_wait3A_80 = tpu.memref_slice %arg8[%dma_wait3A_79] : memref<1000000xf32, #tpu.memory_space<vmem_shared>> -> memref<5120xf32, #tpu.memory_space<vmem_shared>>
        %dma_wait3A_81 = arith.constant 0 : i32
        %dma_wait3A_82 = tpu.memref_slice %arg8[%dma_wait3A_81] : memref<1000000xf32, #tpu.memory_space<vmem_shared>> -> memref<5120xf32, #tpu.memory_space<vmem_shared>>
        tpu.wait_dma2 semaphore(%arg13 : memref<!tpu.dma_semaphore, #tpu.memory_space<semaphore_mem>>) src(%dma_wait3A_82 : memref<5120xf32, #tpu.memory_space<vmem_shared>>) dst(%arg11 : memref<5120xf32, #tpu.memory_space<vmem>>)
        %mul3A_83 = arith.constant 5 : i32
        %mul3A_84 = arith.muli %mul3A_83, %add3A_78 : i32
        %add3A_85 = arith.constant 0 : i32
        %add3A_86 = arith.addi %mul3A_84, %add3A_85 : i32
        "tpu.region"() ({
          %run_scoped3A = tpu.sem_alloc : memref<!tpu.dma_semaphore, #tpu.memory_space<semaphore_mem>>
          %dma_start3A_110 = arith.constant 0 : i32
          %dma_start3A_111 = tpu.memref_slice %arg11[%dma_start3A_110] : memref<5120xf32, #tpu.memory_space<vmem>> -> memref<1024xf32, #tpu.memory_space<vmem>>
          %dma_start3A_112 = tpu.memref_slice %arg6[%add3A_86, %add3A, %mul3A_0] : memref<50x32x16384xf32, #tpu.memory_space<hbm>> -> memref<1x1x1024xf32, #tpu.memory_space<hbm>>
          %dma_start3A_113 = tpu.memref_squeeze %dma_start3A_112 : memref<1x1x1024xf32, #tpu.memory_space<hbm>> -> memref<1024xf32, #tpu.memory_space<hbm>>
          %dma_start3A_114 = tpu.memref_slice %arg6[%add3A_86, %add3A, %mul3A_0] : memref<50x32x16384xf32, #tpu.memory_space<hbm>> -> memref<1x1x1024xf32, #tpu.memory_space<hbm>>
          %dma_start3A_115 = tpu.memref_squeeze %dma_start3A_114 : memref<1x1x1024xf32, #tpu.memory_space<hbm>> -> memref<1024xf32, #tpu.memory_space<hbm>>
          %dma_start3A_116 = arith.constant 0 : i32
          %dma_start3A_117 = tpu.memref_slice %arg11[%dma_start3A_116] : memref<5120xf32, #tpu.memory_space<vmem>> -> memref<1024xf32, #tpu.memory_space<vmem>>
          tpu.enqueue_dma source(%dma_start3A_117 : memref<1024xf32, #tpu.memory_space<vmem>>) target(%dma_start3A_115 : memref<1024xf32, #tpu.memory_space<hbm>>) target_semaphore(%run_scoped3A : memref<!tpu.dma_semaphore, #tpu.memory_space<semaphore_mem>>)
          %dma_wait3A_118 = arith.constant 0 : i32
          %dma_wait3A_119 = tpu.memref_slice %arg11[%dma_wait3A_118] : memref<5120xf32, #tpu.memory_space<vmem>> -> memref<1024xf32, #tpu.memory_space<vmem>>
          %dma_wait3A_120 = tpu.memref_slice %arg6[%add3A_86, %add3A, %mul3A_0] : memref<50x32x16384xf32, #tpu.memory_space<hbm>> -> memref<1x1x1024xf32, #tpu.memory_space<hbm>>
          %dma_wait3A_121 = tpu.memref_squeeze %dma_wait3A_120 : memref<1x1x1024xf32, #tpu.memory_space<hbm>> -> memref<1024xf32, #tpu.memory_space<hbm>>
          %dma_wait3A_122 = tpu.memref_slice %arg6[%add3A_86, %add3A, %mul3A_0] : memref<50x32x16384xf32, #tpu.memory_space<hbm>> -> memref<1x1x1024xf32, #tpu.memory_space<hbm>>
          %dma_wait3A_123 = tpu.memref_squeeze %dma_wait3A_122 : memref<1x1x1024xf32, #tpu.memory_space<hbm>> -> memref<1024xf32, #tpu.memory_space<hbm>>
          %dma_wait3A_124 = arith.constant 0 : i32
          %dma_wait3A_125 = tpu.memref_slice %arg11[%dma_wait3A_124] : memref<5120xf32, #tpu.memory_space<vmem>> -> memref<1024xf32, #tpu.memory_space<vmem>>
          tpu.wait_dma2 semaphore(%run_scoped3A : memref<!tpu.dma_semaphore, #tpu.memory_space<semaphore_mem>>) src(%dma_wait3A_125 : memref<1024xf32, #tpu.memory_space<vmem>>) dst(%dma_wait3A_123 : memref<1024xf32, #tpu.memory_space<hbm>>)
          tpu.yield
        }) : () -> ()
        %mul3A_87 = arith.constant 5 : i32
        %mul3A_88 = arith.muli %mul3A_87, %add3A_78 : i32
        %add3A_89 = arith.constant 1 : i32
        %add3A_90 = arith.addi %mul3A_88, %add3A_89 : i32
        "tpu.region"() ({
          %run_scoped3A = tpu.sem_alloc : memref<!tpu.dma_semaphore, #tpu.memory_space<semaphore_mem>>
          %dma_start3A_110 = arith.constant 1024 : i32
          %dma_start3A_111 = tpu.memref_slice %arg11[%dma_start3A_110] : memref<5120xf32, #tpu.memory_space<vmem>> -> memref<1024xf32, #tpu.memory_space<vmem>>
          %dma_start3A_112 = tpu.memref_slice %arg6[%add3A_90, %add3A, %mul3A_0] : memref<50x32x16384xf32, #tpu.memory_space<hbm>> -> memref<1x1x1024xf32, #tpu.memory_space<hbm>>
          %dma_start3A_113 = tpu.memref_squeeze %dma_start3A_112 : memref<1x1x1024xf32, #tpu.memory_space<hbm>> -> memref<1024xf32, #tpu.memory_space<hbm>>
          %dma_start3A_114 = tpu.memref_slice %arg6[%add3A_90, %add3A, %mul3A_0] : memref<50x32x16384xf32, #tpu.memory_space<hbm>> -> memref<1x1x1024xf32, #tpu.memory_space<hbm>>
          %dma_start3A_115 = tpu.memref_squeeze %dma_start3A_114 : memref<1x1x1024xf32, #tpu.memory_space<hbm>> -> memref<1024xf32, #tpu.memory_space<hbm>>
          %dma_start3A_116 = arith.constant 1024 : i32
          %dma_start3A_117 = tpu.memref_slice %arg11[%dma_start3A_116] : memref<5120xf32, #tpu.memory_space<vmem>> -> memref<1024xf32, #tpu.memory_space<vmem>>
          tpu.enqueue_dma source(%dma_start3A_117 : memref<1024xf32, #tpu.memory_space<vmem>>) target(%dma_start3A_115 : memref<1024xf32, #tpu.memory_space<hbm>>) target_semaphore(%run_scoped3A : memref<!tpu.dma_semaphore, #tpu.memory_space<semaphore_mem>>)
          %dma_wait3A_118 = arith.constant 1024 : i32
          %dma_wait3A_119 = tpu.memref_slice %arg11[%dma_wait3A_118] : memref<5120xf32, #tpu.memory_space<vmem>> -> memref<1024xf32, #tpu.memory_space<vmem>>
          %dma_wait3A_120 = tpu.memref_slice %arg6[%add3A_90, %add3A, %mul3A_0] : memref<50x32x16384xf32, #tpu.memory_space<hbm>> -> memref<1x1x1024xf32, #tpu.memory_space<hbm>>
          %dma_wait3A_121 = tpu.memref_squeeze %dma_wait3A_120 : memref<1x1x1024xf32, #tpu.memory_space<hbm>> -> memref<1024xf32, #tpu.memory_space<hbm>>
          %dma_wait3A_122 = tpu.memref_slice %arg6[%add3A_90, %add3A, %mul3A_0] : memref<50x32x16384xf32, #tpu.memory_space<hbm>> -> memref<1x1x1024xf32, #tpu.memory_space<hbm>>
          %dma_wait3A_123 = tpu.memref_squeeze %dma_wait3A_122 : memref<1x1x1024xf32, #tpu.memory_space<hbm>> -> memref<1024xf32, #tpu.memory_space<hbm>>
          %dma_wait3A_124 = arith.constant 1024 : i32
          %dma_wait3A_125 = tpu.memref_slice %arg11[%dma_wait3A_124] : memref<5120xf32, #tpu.memory_space<vmem>> -> memref<1024xf32, #tpu.memory_space<vmem>>
          tpu.wait_dma2 semaphore(%run_scoped3A : memref<!tpu.dma_semaphore, #tpu.memory_space<semaphore_mem>>) src(%dma_wait3A_125 : memref<1024xf32, #tpu.memory_space<vmem>>) dst(%dma_wait3A_123 : memref<1024xf32, #tpu.memory_space<hbm>>)
          tpu.yield
        }) : () -> ()
        %mul3A_91 = arith.constant 5 : i32
        %mul3A_92 = arith.muli %mul3A_91, %add3A_78 : i32
        %add3A_93 = arith.constant 2 : i32
        %add3A_94 = arith.addi %mul3A_92, %add3A_93 : i32
        "tpu.region"() ({
          %run_scoped3A = tpu.sem_alloc : memref<!tpu.dma_semaphore, #tpu.memory_space<semaphore_mem>>
          %dma_start3A_110 = arith.constant 2048 : i32
          %dma_start3A_111 = tpu.memref_slice %arg11[%dma_start3A_110] : memref<5120xf32, #tpu.memory_space<vmem>> -> memref<1024xf32, #tpu.memory_space<vmem>>
          %dma_start3A_112 = tpu.memref_slice %arg6[%add3A_94, %add3A, %mul3A_0] : memref<50x32x16384xf32, #tpu.memory_space<hbm>> -> memref<1x1x1024xf32, #tpu.memory_space<hbm>>
          %dma_start3A_113 = tpu.memref_squeeze %dma_start3A_112 : memref<1x1x1024xf32, #tpu.memory_space<hbm>> -> memref<1024xf32, #tpu.memory_space<hbm>>
          %dma_start3A_114 = tpu.memref_slice %arg6[%add3A_94, %add3A, %mul3A_0] : memref<50x32x16384xf32, #tpu.memory_space<hbm>> -> memref<1x1x1024xf32, #tpu.memory_space<hbm>>
          %dma_start3A_115 = tpu.memref_squeeze %dma_start3A_114 : memref<1x1x1024xf32, #tpu.memory_space<hbm>> -> memref<1024xf32, #tpu.memory_space<hbm>>
          %dma_start3A_116 = arith.constant 2048 : i32
          %dma_start3A_117 = tpu.memref_slice %arg11[%dma_start3A_116] : memref<5120xf32, #tpu.memory_space<vmem>> -> memref<1024xf32, #tpu.memory_space<vmem>>
          tpu.enqueue_dma source(%dma_start3A_117 : memref<1024xf32, #tpu.memory_space<vmem>>) target(%dma_start3A_115 : memref<1024xf32, #tpu.memory_space<hbm>>) target_semaphore(%run_scoped3A : memref<!tpu.dma_semaphore, #tpu.memory_space<semaphore_mem>>)
          %dma_wait3A_118 = arith.constant 2048 : i32
          %dma_wait3A_119 = tpu.memref_slice %arg11[%dma_wait3A_118] : memref<5120xf32, #tpu.memory_space<vmem>> -> memref<1024xf32, #tpu.memory_space<vmem>>
          %dma_wait3A_120 = tpu.memref_slice %arg6[%add3A_94, %add3A, %mul3A_0] : memref<50x32x16384xf32, #tpu.memory_space<hbm>> -> memref<1x1x1024xf32, #tpu.memory_space<hbm>>
          %dma_wait3A_121 = tpu.memref_squeeze %dma_wait3A_120 : memref<1x1x1024xf32, #tpu.memory_space<hbm>> -> memref<1024xf32, #tpu.memory_space<hbm>>
          %dma_wait3A_122 = tpu.memref_slice %arg6[%add3A_94, %add3A, %mul3A_0] : memref<50x32x16384xf32, #tpu.memory_space<hbm>> -> memref<1x1x1024xf32, #tpu.memory_space<hbm>>
          %dma_wait3A_123 = tpu.memref_squeeze %dma_wait3A_122 : memref<1x1x1024xf32, #tpu.memory_space<hbm>> -> memref<1024xf32, #tpu.memory_space<hbm>>
          %dma_wait3A_124 = arith.constant 2048 : i32
          %dma_wait3A_125 = tpu.memref_slice %arg11[%dma_wait3A_124] : memref<5120xf32, #tpu.memory_space<vmem>> -> memref<1024xf32, #tpu.memory_space<vmem>>
          tpu.wait_dma2 semaphore(%run_scoped3A : memref<!tpu.dma_semaphore, #tpu.memory_space<semaphore_mem>>) src(%dma_wait3A_125 : memref<1024xf32, #tpu.memory_space<vmem>>) dst(%dma_wait3A_123 : memref<1024xf32, #tpu.memory_space<hbm>>)
          tpu.yield
        }) : () -> ()
        %mul3A_95 = arith.constant 5 : i32
        %mul3A_96 = arith.muli %mul3A_95, %add3A_78 : i32
        %add3A_97 = arith.constant 3 : i32
        %add3A_98 = arith.addi %mul3A_96, %add3A_97 : i32
        "tpu.region"() ({
          %run_scoped3A = tpu.sem_alloc : memref<!tpu.dma_semaphore, #tpu.memory_space<semaphore_mem>>
          %dma_start3A_110 = arith.constant 3072 : i32
          %dma_start3A_111 = tpu.memref_slice %arg11[%dma_start3A_110] : memref<5120xf32, #tpu.memory_space<vmem>> -> memref<1024xf32, #tpu.memory_space<vmem>>
          %dma_start3A_112 = tpu.memref_slice %arg6[%add3A_98, %add3A, %mul3A_0] : memref<50x32x16384xf32, #tpu.memory_space<hbm>> -> memref<1x1x1024xf32, #tpu.memory_space<hbm>>
          %dma_start3A_113 = tpu.memref_squeeze %dma_start3A_112 : memref<1x1x1024xf32, #tpu.memory_space<hbm>> -> memref<1024xf32, #tpu.memory_space<hbm>>
          %dma_start3A_114 = tpu.memref_slice %arg6[%add3A_98, %add3A, %mul3A_0] : memref<50x32x16384xf32, #tpu.memory_space<hbm>> -> memref<1x1x1024xf32, #tpu.memory_space<hbm>>
          %dma_start3A_115 = tpu.memref_squeeze %dma_start3A_114 : memref<1x1x1024xf32, #tpu.memory_space<hbm>> -> memref<1024xf32, #tpu.memory_space<hbm>>
          %dma_start3A_116 = arith.constant 3072 : i32
          %dma_start3A_117 = tpu.memref_slice %arg11[%dma_start3A_116] : memref<5120xf32, #tpu.memory_space<vmem>> -> memref<1024xf32, #tpu.memory_space<vmem>>
          tpu.enqueue_dma source(%dma_start3A_117 : memref<1024xf32, #tpu.memory_space<vmem>>) target(%dma_start3A_115 : memref<1024xf32, #tpu.memory_space<hbm>>) target_semaphore(%run_scoped3A : memref<!tpu.dma_semaphore, #tpu.memory_space<semaphore_mem>>)
          %dma_wait3A_118 = arith.constant 3072 : i32
          %dma_wait3A_119 = tpu.memref_slice %arg11[%dma_wait3A_118] : memref<5120xf32, #tpu.memory_space<vmem>> -> memref<1024xf32, #tpu.memory_space<vmem>>
          %dma_wait3A_120 = tpu.memref_slice %arg6[%add3A_98, %add3A, %mul3A_0] : memref<50x32x16384xf32, #tpu.memory_space<hbm>> -> memref<1x1x1024xf32, #tpu.memory_space<hbm>>
          %dma_wait3A_121 = tpu.memref_squeeze %dma_wait3A_120 : memref<1x1x1024xf32, #tpu.memory_space<hbm>> -> memref<1024xf32, #tpu.memory_space<hbm>>
          %dma_wait3A_122 = tpu.memref_slice %arg6[%add3A_98, %add3A, %mul3A_0] : memref<50x32x16384xf32, #tpu.memory_space<hbm>> -> memref<1x1x1024xf32, #tpu.memory_space<hbm>>
          %dma_wait3A_123 = tpu.memref_squeeze %dma_wait3A_122 : memref<1x1x1024xf32, #tpu.memory_space<hbm>> -> memref<1024xf32, #tpu.memory_space<hbm>>
          %dma_wait3A_124 = arith.constant 3072 : i32
          %dma_wait3A_125 = tpu.memref_slice %arg11[%dma_wait3A_124] : memref<5120xf32, #tpu.memory_space<vmem>> -> memref<1024xf32, #tpu.memory_space<vmem>>
          tpu.wait_dma2 semaphore(%run_scoped3A : memref<!tpu.dma_semaphore, #tpu.memory_space<semaphore_mem>>) src(%dma_wait3A_125 : memref<1024xf32, #tpu.memory_space<vmem>>) dst(%dma_wait3A_123 : memref<1024xf32, #tpu.memory_space<hbm>>)
          tpu.yield
        }) : () -> ()
        %mul3A_99 = arith.constant 5 : i32
        %mul3A_100 = arith.muli %mul3A_99, %add3A_78 : i32
        %add3A_101 = arith.constant 4 : i32
        %add3A_102 = arith.addi %mul3A_100, %add3A_101 : i32
        "tpu.region"() ({
          %run_scoped3A = tpu.sem_alloc : memref<!tpu.dma_semaphore, #tpu.memory_space<semaphore_mem>>
          %dma_start3A_110 = arith.constant 4096 : i32
          %dma_start3A_111 = tpu.memref_slice %arg11[%dma_start3A_110] : memref<5120xf32, #tpu.memory_space<vmem>> -> memref<1024xf32, #tpu.memory_space<vmem>>
          %dma_start3A_112 = tpu.memref_slice %arg6[%add3A_102, %add3A, %mul3A_0] : memref<50x32x16384xf32, #tpu.memory_space<hbm>> -> memref<1x1x1024xf32, #tpu.memory_space<hbm>>
          %dma_start3A_113 = tpu.memref_squeeze %dma_start3A_112 : memref<1x1x1024xf32, #tpu.memory_space<hbm>> -> memref<1024xf32, #tpu.memory_space<hbm>>
          %dma_start3A_114 = tpu.memref_slice %arg6[%add3A_102, %add3A, %mul3A_0] : memref<50x32x16384xf32, #tpu.memory_space<hbm>> -> memref<1x1x1024xf32, #tpu.memory_space<hbm>>
          %dma_start3A_115 = tpu.memref_squeeze %dma_start3A_114 : memref<1x1x1024xf32, #tpu.memory_space<hbm>> -> memref<1024xf32, #tpu.memory_space<hbm>>
          %dma_start3A_116 = arith.constant 4096 : i32
          %dma_start3A_117 = tpu.memref_slice %arg11[%dma_start3A_116] : memref<5120xf32, #tpu.memory_space<vmem>> -> memref<1024xf32, #tpu.memory_space<vmem>>
          tpu.enqueue_dma source(%dma_start3A_117 : memref<1024xf32, #tpu.memory_space<vmem>>) target(%dma_start3A_115 : memref<1024xf32, #tpu.memory_space<hbm>>) target_semaphore(%run_scoped3A : memref<!tpu.dma_semaphore, #tpu.memory_space<semaphore_mem>>)
          %dma_wait3A_118 = arith.constant 4096 : i32
          %dma_wait3A_119 = tpu.memref_slice %arg11[%dma_wait3A_118] : memref<5120xf32, #tpu.memory_space<vmem>> -> memref<1024xf32, #tpu.memory_space<vmem>>
          %dma_wait3A_120 = tpu.memref_slice %arg6[%add3A_102, %add3A, %mul3A_0] : memref<50x32x16384xf32, #tpu.memory_space<hbm>> -> memref<1x1x1024xf32, #tpu.memory_space<hbm>>
          %dma_wait3A_121 = tpu.memref_squeeze %dma_wait3A_120 : memref<1x1x1024xf32, #tpu.memory_space<hbm>> -> memref<1024xf32, #tpu.memory_space<hbm>>
          %dma_wait3A_122 = tpu.memref_slice %arg6[%add3A_102, %add3A, %mul3A_0] : memref<50x32x16384xf32, #tpu.memory_space<hbm>> -> memref<1x1x1024xf32, #tpu.memory_space<hbm>>
          %dma_wait3A_123 = tpu.memref_squeeze %dma_wait3A_122 : memref<1x1x1024xf32, #tpu.memory_space<hbm>> -> memref<1024xf32, #tpu.memory_space<hbm>>
          %dma_wait3A_124 = arith.constant 4096 : i32
          %dma_wait3A_125 = tpu.memref_slice %arg11[%dma_wait3A_124] : memref<5120xf32, #tpu.memory_space<vmem>> -> memref<1024xf32, #tpu.memory_space<vmem>>
          tpu.wait_dma2 semaphore(%run_scoped3A : memref<!tpu.dma_semaphore, #tpu.memory_space<semaphore_mem>>) src(%dma_wait3A_125 : memref<1024xf32, #tpu.memory_space<vmem>>) dst(%dma_wait3A_123 : memref<1024xf32, #tpu.memory_space<hbm>>)
          tpu.yield
        }) : () -> ()
        %add3A_103 = arith.constant 2 : i32
        %add3A_104 = arith.addi %add3A_78, %add3A_103 : i32
        %lt3A_105 = arith.constant 10 : i32
        %lt3A_106 = arith.cmpi slt, %add3A_104, %lt3A_105 : i32
        %convert_element_type3A_107 = arith.extui %lt3A_106 : i1 to i32
        %cond3A_108 = arith.constant 0 : i32
        %cond3A_109 = arith.cmpi ne, %convert_element_type3A_107, %cond3A_108 : i32
        scf.if %cond3A_109 {
          %add3A_110 = arith.constant 2 : i32
          %add3A_111 = arith.addi %add3A_78, %add3A_110 : i32
          %mul3A_112 = arith.constant 5120 : i32
          %mul3A_113 = arith.muli %add3A_111, %mul3A_112 : i32
          %dma_start3A_114 = tpu.memref_slice %arg9[%mul3A_113] : memref<51200xi32, #tpu.memory_space<vmem>> -> memref<5120xi32, #tpu.memory_space<vmem>>
          %dma_start3A_115 = arith.constant 0 : i32
          %dma_start3A_116 = tpu.memref_slice %arg8[%dma_start3A_115] : memref<1000000xf32, #tpu.memory_space<vmem_shared>> -> memref<1000000xf32, #tpu.memory_space<vmem_shared>>
          tpu.enqueue_indirect_dma source(%dma_start3A_116 : memref<1000000xf32, #tpu.memory_space<vmem_shared>>) target(%arg11 : memref<5120xf32, #tpu.memory_space<vmem>>) offsets(%dma_start3A_114 : memref<5120xi32, #tpu.memory_space<vmem>>) semaphore(%arg13 : memref<!tpu.dma_semaphore, #tpu.memory_space<semaphore_mem>>)
        } else {
        }
      }
      %scan3A_42 = arith.constant 5 : i32
    }
    %scan3A_11 = arith.constant 16 : i32
    %scan3A_12 = arith.constant 0 : i32
    %scan3A_13 = arith.constant 0 : i32
    %scan3A_14 = arith.constant 50 : i32
    %scan3A_15 = arith.addi %scan3A_13, %scan3A_14 : i32
    %scan3A_16 = arith.constant 1 : i32
    scf.for %scan3A_24 = %scan3A_13 to %scan3A_15 step %scan3A_16  : i32 {
      %mul3A_25 = arith.constant 1024 : i32
      %mul3A_26 = arith.muli %scan3A_24, %mul3A_25 : i32
      "tpu.region"() ({
        %run_scoped3A = tpu.sem_alloc : memref<!tpu.dma_semaphore, #tpu.memory_space<semaphore_mem>>
        %dma_start3A = tpu.memref_slice %arg9[%mul3A_26] : memref<51200xi32, #tpu.memory_space<vmem>> -> memref<1024xi32, #tpu.memory_space<vmem>>
        %dma_start3A_27 = tpu.memref_slice %arg5[%scan3A_24, %mul3A_0] : memref<50x16384xi32, #tpu.memory_space<hbm>> -> memref<1x1024xi32, #tpu.memory_space<hbm>>
        %dma_start3A_28 = tpu.memref_squeeze %dma_start3A_27 : memref<1x1024xi32, #tpu.memory_space<hbm>> -> memref<1024xi32, #tpu.memory_space<hbm>>
        %dma_start3A_29 = tpu.memref_slice %arg9[%mul3A_26] : memref<51200xi32, #tpu.memory_space<vmem>> -> memref<1024xi32, #tpu.memory_space<vmem>>
        %dma_start3A_30 = tpu.memref_slice %arg5[%scan3A_24, %mul3A_0] : memref<50x16384xi32, #tpu.memory_space<hbm>> -> memref<1x1024xi32, #tpu.memory_space<hbm>>
        %dma_start3A_31 = tpu.memref_squeeze %dma_start3A_30 : memref<1x1024xi32, #tpu.memory_space<hbm>> -> memref<1024xi32, #tpu.memory_space<hbm>>
        tpu.enqueue_dma source(%dma_start3A_31 : memref<1024xi32, #tpu.memory_space<hbm>>) target(%dma_start3A_29 : memref<1024xi32, #tpu.memory_space<vmem>>) target_semaphore(%run_scoped3A : memref<!tpu.dma_semaphore, #tpu.memory_space<semaphore_mem>>)
        %dma_wait3A = tpu.memref_slice %arg9[%mul3A_26] : memref<51200xi32, #tpu.memory_space<vmem>> -> memref<1024xi32, #tpu.memory_space<vmem>>
        %dma_wait3A_32 = tpu.memref_slice %arg5[%scan3A_24, %mul3A_0] : memref<50x16384xi32, #tpu.memory_space<hbm>> -> memref<1x1024xi32, #tpu.memory_space<hbm>>
        %dma_wait3A_33 = tpu.memref_squeeze %dma_wait3A_32 : memref<1x1024xi32, #tpu.memory_space<hbm>> -> memref<1024xi32, #tpu.memory_space<hbm>>
        %dma_wait3A_34 = tpu.memref_slice %arg9[%mul3A_26] : memref<51200xi32, #tpu.memory_space<vmem>> -> memref<1024xi32, #tpu.memory_space<vmem>>
        %dma_wait3A_35 = tpu.memref_slice %arg5[%scan3A_24, %mul3A_0] : memref<50x16384xi32, #tpu.memory_space<hbm>> -> memref<1x1024xi32, #tpu.memory_space<hbm>>
        %dma_wait3A_36 = tpu.memref_squeeze %dma_wait3A_35 : memref<1x1024xi32, #tpu.memory_space<hbm>> -> memref<1024xi32, #tpu.memory_space<hbm>>
        tpu.wait_dma2 semaphore(%run_scoped3A : memref<!tpu.dma_semaphore, #tpu.memory_space<semaphore_mem>>) src(%dma_wait3A_36 : memref<1024xi32, #tpu.memory_space<hbm>>) dst(%dma_wait3A_34 : memref<1024xi32, #tpu.memory_space<vmem>>)
        tpu.yield
      }) : () -> ()
    }
    %scan3A_17 = arith.constant 50 : i32
    %scan3A_18 = arith.constant 0 : i32
    %scan3A_19 = arith.constant 0 : i32
    %scan3A_20 = arith.constant 16 : i32
    %scan3A_21 = arith.addi %scan3A_19, %scan3A_20 : i32
    %scan3A_22 = arith.constant 1 : i32
    scf.for %scan3A_24 = %scan3A_19 to %scan3A_21 step %scan3A_22  : i32 {
      %mul3A_25 = arith.constant 16 : i32
      %mul3A_26 = arith.muli %arg0, %mul3A_25 : i32
      %add3A = arith.addi %mul3A_26, %scan3A_24 : i32
      %barrier3A = arith.constant 0 : index
      tpu.barrier barrier_id(%barrier3A)
      %eq3A = arith.constant 0 : i32
      %eq3A_27 = arith.cmpi eq, %arg1, %eq3A : i32
      %convert_element_type3A = arith.extui %eq3A_27 : i1 to i32
      %cond3A = arith.constant 0 : i32
      %cond3A_28 = arith.cmpi ne, %convert_element_type3A, %cond3A : i32
      scf.if %cond3A_28 {
        "tpu.region"() ({
          %run_scoped3A = tpu.sem_alloc : memref<!tpu.dma_semaphore, #tpu.memory_space<semaphore_mem>>
          %dma_start3A_43 = arith.constant 0 : i32
          %dma_start3A_44 = tpu.memref_slice %arg3[%add3A, %dma_start3A_43] : memref<32x1000000xf32, #tpu.memory_space<hbm>> -> memref<1x1000000xf32, #tpu.memory_space<hbm>>
          %dma_start3A_45 = tpu.memref_squeeze %dma_start3A_44 : memref<1x1000000xf32, #tpu.memory_space<hbm>> -> memref<1000000xf32, #tpu.memory_space<hbm>>
          tpu.enqueue_dma source(%dma_start3A_45 : memref<1000000xf32, #tpu.memory_space<hbm>>) target(%arg8 : memref<1000000xf32, #tpu.memory_space<vmem_shared>>) target_semaphore(%run_scoped3A : memref<!tpu.dma_semaphore, #tpu.memory_space<semaphore_mem>>)
          %dma_wait3A = arith.constant 0 : i32
          %dma_wait3A_46 = tpu.memref_slice %arg3[%add3A, %dma_wait3A] : memref<32x1000000xf32, #tpu.memory_space<hbm>> -> memref<1x1000000xf32, #tpu.memory_space<hbm>>
          %dma_wait3A_47 = tpu.memref_squeeze %dma_wait3A_46 : memref<1x1000000xf32, #tpu.memory_space<hbm>> -> memref<1000000xf32, #tpu.memory_space<hbm>>
          tpu.wait_dma2 semaphore(%run_scoped3A : memref<!tpu.dma_semaphore, #tpu.memory_space<semaphore_mem>>) src(%dma_wait3A_47 : memref<1000000xf32, #tpu.memory_space<hbm>>) dst(%arg8 : memref<1000000xf32, #tpu.memory_space<vmem_shared>>)
          tpu.yield
        }) : () -> ()
      } else {
      }
      %barrier3A_29 = arith.constant 0 : index
      tpu.barrier barrier_id(%barrier3A_29)
      %dma_start3A = arith.constant 0 : i32
      %dma_start3A_30 = tpu.memref_slice %arg9[%dma_start3A] : memref<51200xi32, #tpu.memory_space<vmem>> -> memref<5120xi32, #tpu.memory_space<vmem>>
      %dma_start3A_31 = arith.constant 0 : i32
      %dma_start3A_32 = tpu.memref_slice %arg8[%dma_start3A_31] : memref<1000000xf32, #tpu.memory_space<vmem_shared>> -> memref<1000000xf32, #tpu.memory_space<vmem_shared>>
      tpu.enqueue_indirect_dma source(%dma_start3A_32 : memref<1000000xf32, #tpu.memory_space<vmem_shared>>) target(%arg10 : memref<5120xf32, #tpu.memory_space<vmem>>) offsets(%dma_start3A_30 : memref<5120xi32, #tpu.memory_space<vmem>>) semaphore(%arg12 : memref<!tpu.dma_semaphore, #tpu.memory_space<semaphore_mem>>)
      %dma_start3A_33 = arith.constant 5120 : i32
      %dma_start3A_34 = tpu.memref_slice %arg9[%dma_start3A_33] : memref<51200xi32, #tpu.memory_space<vmem>> -> memref<5120xi32, #tpu.memory_space<vmem>>
      %dma_start3A_35 = arith.constant 0 : i32
      %dma_start3A_36 = tpu.memref_slice %arg8[%dma_start3A_35] : memref<1000000xf32, #tpu.memory_space<vmem_shared>> -> memref<1000000xf32, #tpu.memory_space<vmem_shared>>
      tpu.enqueue_indirect_dma source(%dma_start3A_36 : memref<1000000xf32, #tpu.memory_space<vmem_shared>>) target(%arg11 : memref<5120xf32, #tpu.memory_space<vmem>>) offsets(%dma_start3A_34 : memref<5120xi32, #tpu.memory_space<vmem>>) semaphore(%arg13 : memref<!tpu.dma_semaphore, #tpu.memory_space<semaphore_mem>>)
      %scan3A_37 = arith.constant 0 : i32
      %scan3A_38 = arith.constant 0 : i32
      %scan3A_39 = arith.constant 5 : i32
      %scan3A_40 = arith.addi %scan3A_38, %scan3A_39 : i32
      %scan3A_41 = arith.constant 1 : i32
      scf.for %scan3A_43 = %scan3A_38 to %scan3A_40 step %scan3A_41  : i32 {
        %mul3A_44 = arith.constant 2 : i32
        %mul3A_45 = arith.muli %scan3A_43, %mul3A_44 : i32
        %add3A_46 = arith.constant 0 : i32
        %add3A_47 = arith.addi %mul3A_45, %add3A_46 : i32
        %dma_wait3A = arith.constant 0 : i32
        %dma_wait3A_48 = tpu.memref_slice %arg8[%dma_wait3A] : memref<1000000xf32, #tpu.memory_space<vmem_shared>> -> memref<5120xf32, #tpu.memory_space<vmem_shared>>
        %dma_wait3A_49 = arith.constant 0 : i32
        %dma_wait3A_50 = tpu.memref_slice %arg8[%dma_wait3A_49] : memref<1000000xf32, #tpu.memory_space<vmem_shared>> -> memref<5120xf32, #tpu.memory_space<vmem_shared>>
        tpu.wait_dma2 semaphore(%arg12 : memref<!tpu.dma_semaphore, #tpu.memory_space<semaphore_mem>>) src(%dma_wait3A_50 : memref<5120xf32, #tpu.memory_space<vmem_shared>>) dst(%arg10 : memref<5120xf32, #tpu.memory_space<vmem>>)
        %mul3A_51 = arith.constant 5 : i32
        %mul3A_52 = arith.muli %mul3A_51, %add3A_47 : i32
        %add3A_53 = arith.constant 0 : i32
        %add3A_54 = arith.addi %mul3A_52, %add3A_53 : i32
        "tpu.region"() ({
          %run_scoped3A = tpu.sem_alloc : memref<!tpu.dma_semaphore, #tpu.memory_space<semaphore_mem>>
          %dma_start3A_110 = arith.constant 0 : i32
          %dma_start3A_111 = tpu.memref_slice %arg10[%dma_start3A_110] : memref<5120xf32, #tpu.memory_space<vmem>> -> memref<1024xf32, #tpu.memory_space<vmem>>
          %dma_start3A_112 = tpu.memref_slice %arg7[%add3A_54, %add3A, %mul3A_0] : memref<50x32x16384xf32, #tpu.memory_space<hbm>> -> memref<1x1x1024xf32, #tpu.memory_space<hbm>>
          %dma_start3A_113 = tpu.memref_squeeze %dma_start3A_112 : memref<1x1x1024xf32, #tpu.memory_space<hbm>> -> memref<1024xf32, #tpu.memory_space<hbm>>
          %dma_start3A_114 = tpu.memref_slice %arg7[%add3A_54, %add3A, %mul3A_0] : memref<50x32x16384xf32, #tpu.memory_space<hbm>> -> memref<1x1x1024xf32, #tpu.memory_space<hbm>>
          %dma_start3A_115 = tpu.memref_squeeze %dma_start3A_114 : memref<1x1x1024xf32, #tpu.memory_space<hbm>> -> memref<1024xf32, #tpu.memory_space<hbm>>
          %dma_start3A_116 = arith.constant 0 : i32
          %dma_start3A_117 = tpu.memref_slice %arg10[%dma_start3A_116] : memref<5120xf32, #tpu.memory_space<vmem>> -> memref<1024xf32, #tpu.memory_space<vmem>>
          tpu.enqueue_dma source(%dma_start3A_117 : memref<1024xf32, #tpu.memory_space<vmem>>) target(%dma_start3A_115 : memref<1024xf32, #tpu.memory_space<hbm>>) target_semaphore(%run_scoped3A : memref<!tpu.dma_semaphore, #tpu.memory_space<semaphore_mem>>)
          %dma_wait3A_118 = arith.constant 0 : i32
          %dma_wait3A_119 = tpu.memref_slice %arg10[%dma_wait3A_118] : memref<5120xf32, #tpu.memory_space<vmem>> -> memref<1024xf32, #tpu.memory_space<vmem>>
          %dma_wait3A_120 = tpu.memref_slice %arg7[%add3A_54, %add3A, %mul3A_0] : memref<50x32x16384xf32, #tpu.memory_space<hbm>> -> memref<1x1x1024xf32, #tpu.memory_space<hbm>>
          %dma_wait3A_121 = tpu.memref_squeeze %dma_wait3A_120 : memref<1x1x1024xf32, #tpu.memory_space<hbm>> -> memref<1024xf32, #tpu.memory_space<hbm>>
          %dma_wait3A_122 = tpu.memref_slice %arg7[%add3A_54, %add3A, %mul3A_0] : memref<50x32x16384xf32, #tpu.memory_space<hbm>> -> memref<1x1x1024xf32, #tpu.memory_space<hbm>>
          %dma_wait3A_123 = tpu.memref_squeeze %dma_wait3A_122 : memref<1x1x1024xf32, #tpu.memory_space<hbm>> -> memref<1024xf32, #tpu.memory_space<hbm>>
          %dma_wait3A_124 = arith.constant 0 : i32
          %dma_wait3A_125 = tpu.memref_slice %arg10[%dma_wait3A_124] : memref<5120xf32, #tpu.memory_space<vmem>> -> memref<1024xf32, #tpu.memory_space<vmem>>
          tpu.wait_dma2 semaphore(%run_scoped3A : memref<!tpu.dma_semaphore, #tpu.memory_space<semaphore_mem>>) src(%dma_wait3A_125 : memref<1024xf32, #tpu.memory_space<vmem>>) dst(%dma_wait3A_123 : memref<1024xf32, #tpu.memory_space<hbm>>)
          tpu.yield
        }) : () -> ()
        %mul3A_55 = arith.constant 5 : i32
        %mul3A_56 = arith.muli %mul3A_55, %add3A_47 : i32
        %add3A_57 = arith.constant 1 : i32
        %add3A_58 = arith.addi %mul3A_56, %add3A_57 : i32
        "tpu.region"() ({
          %run_scoped3A = tpu.sem_alloc : memref<!tpu.dma_semaphore, #tpu.memory_space<semaphore_mem>>
          %dma_start3A_110 = arith.constant 1024 : i32
          %dma_start3A_111 = tpu.memref_slice %arg10[%dma_start3A_110] : memref<5120xf32, #tpu.memory_space<vmem>> -> memref<1024xf32, #tpu.memory_space<vmem>>
          %dma_start3A_112 = tpu.memref_slice %arg7[%add3A_58, %add3A, %mul3A_0] : memref<50x32x16384xf32, #tpu.memory_space<hbm>> -> memref<1x1x1024xf32, #tpu.memory_space<hbm>>
          %dma_start3A_113 = tpu.memref_squeeze %dma_start3A_112 : memref<1x1x1024xf32, #tpu.memory_space<hbm>> -> memref<1024xf32, #tpu.memory_space<hbm>>
          %dma_start3A_114 = tpu.memref_slice %arg7[%add3A_58, %add3A, %mul3A_0] : memref<50x32x16384xf32, #tpu.memory_space<hbm>> -> memref<1x1x1024xf32, #tpu.memory_space<hbm>>
          %dma_start3A_115 = tpu.memref_squeeze %dma_start3A_114 : memref<1x1x1024xf32, #tpu.memory_space<hbm>> -> memref<1024xf32, #tpu.memory_space<hbm>>
          %dma_start3A_116 = arith.constant 1024 : i32
          %dma_start3A_117 = tpu.memref_slice %arg10[%dma_start3A_116] : memref<5120xf32, #tpu.memory_space<vmem>> -> memref<1024xf32, #tpu.memory_space<vmem>>
          tpu.enqueue_dma source(%dma_start3A_117 : memref<1024xf32, #tpu.memory_space<vmem>>) target(%dma_start3A_115 : memref<1024xf32, #tpu.memory_space<hbm>>) target_semaphore(%run_scoped3A : memref<!tpu.dma_semaphore, #tpu.memory_space<semaphore_mem>>)
          %dma_wait3A_118 = arith.constant 1024 : i32
          %dma_wait3A_119 = tpu.memref_slice %arg10[%dma_wait3A_118] : memref<5120xf32, #tpu.memory_space<vmem>> -> memref<1024xf32, #tpu.memory_space<vmem>>
          %dma_wait3A_120 = tpu.memref_slice %arg7[%add3A_58, %add3A, %mul3A_0] : memref<50x32x16384xf32, #tpu.memory_space<hbm>> -> memref<1x1x1024xf32, #tpu.memory_space<hbm>>
          %dma_wait3A_121 = tpu.memref_squeeze %dma_wait3A_120 : memref<1x1x1024xf32, #tpu.memory_space<hbm>> -> memref<1024xf32, #tpu.memory_space<hbm>>
          %dma_wait3A_122 = tpu.memref_slice %arg7[%add3A_58, %add3A, %mul3A_0] : memref<50x32x16384xf32, #tpu.memory_space<hbm>> -> memref<1x1x1024xf32, #tpu.memory_space<hbm>>
          %dma_wait3A_123 = tpu.memref_squeeze %dma_wait3A_122 : memref<1x1x1024xf32, #tpu.memory_space<hbm>> -> memref<1024xf32, #tpu.memory_space<hbm>>
          %dma_wait3A_124 = arith.constant 1024 : i32
          %dma_wait3A_125 = tpu.memref_slice %arg10[%dma_wait3A_124] : memref<5120xf32, #tpu.memory_space<vmem>> -> memref<1024xf32, #tpu.memory_space<vmem>>
          tpu.wait_dma2 semaphore(%run_scoped3A : memref<!tpu.dma_semaphore, #tpu.memory_space<semaphore_mem>>) src(%dma_wait3A_125 : memref<1024xf32, #tpu.memory_space<vmem>>) dst(%dma_wait3A_123 : memref<1024xf32, #tpu.memory_space<hbm>>)
          tpu.yield
        }) : () -> ()
        %mul3A_59 = arith.constant 5 : i32
        %mul3A_60 = arith.muli %mul3A_59, %add3A_47 : i32
        %add3A_61 = arith.constant 2 : i32
        %add3A_62 = arith.addi %mul3A_60, %add3A_61 : i32
        "tpu.region"() ({
          %run_scoped3A = tpu.sem_alloc : memref<!tpu.dma_semaphore, #tpu.memory_space<semaphore_mem>>
          %dma_start3A_110 = arith.constant 2048 : i32
          %dma_start3A_111 = tpu.memref_slice %arg10[%dma_start3A_110] : memref<5120xf32, #tpu.memory_space<vmem>> -> memref<1024xf32, #tpu.memory_space<vmem>>
          %dma_start3A_112 = tpu.memref_slice %arg7[%add3A_62, %add3A, %mul3A_0] : memref<50x32x16384xf32, #tpu.memory_space<hbm>> -> memref<1x1x1024xf32, #tpu.memory_space<hbm>>
          %dma_start3A_113 = tpu.memref_squeeze %dma_start3A_112 : memref<1x1x1024xf32, #tpu.memory_space<hbm>> -> memref<1024xf32, #tpu.memory_space<hbm>>
          %dma_start3A_114 = tpu.memref_slice %arg7[%add3A_62, %add3A, %mul3A_0] : memref<50x32x16384xf32, #tpu.memory_space<hbm>> -> memref<1x1x1024xf32, #tpu.memory_space<hbm>>
          %dma_start3A_115 = tpu.memref_squeeze %dma_start3A_114 : memref<1x1x1024xf32, #tpu.memory_space<hbm>> -> memref<1024xf32, #tpu.memory_space<hbm>>
          %dma_start3A_116 = arith.constant 2048 : i32
          %dma_start3A_117 = tpu.memref_slice %arg10[%dma_start3A_116] : memref<5120xf32, #tpu.memory_space<vmem>> -> memref<1024xf32, #tpu.memory_space<vmem>>
          tpu.enqueue_dma source(%dma_start3A_117 : memref<1024xf32, #tpu.memory_space<vmem>>) target(%dma_start3A_115 : memref<1024xf32, #tpu.memory_space<hbm>>) target_semaphore(%run_scoped3A : memref<!tpu.dma_semaphore, #tpu.memory_space<semaphore_mem>>)
          %dma_wait3A_118 = arith.constant 2048 : i32
          %dma_wait3A_119 = tpu.memref_slice %arg10[%dma_wait3A_118] : memref<5120xf32, #tpu.memory_space<vmem>> -> memref<1024xf32, #tpu.memory_space<vmem>>
          %dma_wait3A_120 = tpu.memref_slice %arg7[%add3A_62, %add3A, %mul3A_0] : memref<50x32x16384xf32, #tpu.memory_space<hbm>> -> memref<1x1x1024xf32, #tpu.memory_space<hbm>>
          %dma_wait3A_121 = tpu.memref_squeeze %dma_wait3A_120 : memref<1x1x1024xf32, #tpu.memory_space<hbm>> -> memref<1024xf32, #tpu.memory_space<hbm>>
          %dma_wait3A_122 = tpu.memref_slice %arg7[%add3A_62, %add3A, %mul3A_0] : memref<50x32x16384xf32, #tpu.memory_space<hbm>> -> memref<1x1x1024xf32, #tpu.memory_space<hbm>>
          %dma_wait3A_123 = tpu.memref_squeeze %dma_wait3A_122 : memref<1x1x1024xf32, #tpu.memory_space<hbm>> -> memref<1024xf32, #tpu.memory_space<hbm>>
          %dma_wait3A_124 = arith.constant 2048 : i32
          %dma_wait3A_125 = tpu.memref_slice %arg10[%dma_wait3A_124] : memref<5120xf32, #tpu.memory_space<vmem>> -> memref<1024xf32, #tpu.memory_space<vmem>>
          tpu.wait_dma2 semaphore(%run_scoped3A : memref<!tpu.dma_semaphore, #tpu.memory_space<semaphore_mem>>) src(%dma_wait3A_125 : memref<1024xf32, #tpu.memory_space<vmem>>) dst(%dma_wait3A_123 : memref<1024xf32, #tpu.memory_space<hbm>>)
          tpu.yield
        }) : () -> ()
        %mul3A_63 = arith.constant 5 : i32
        %mul3A_64 = arith.muli %mul3A_63, %add3A_47 : i32
        %add3A_65 = arith.constant 3 : i32
        %add3A_66 = arith.addi %mul3A_64, %add3A_65 : i32
        "tpu.region"() ({
          %run_scoped3A = tpu.sem_alloc : memref<!tpu.dma_semaphore, #tpu.memory_space<semaphore_mem>>
          %dma_start3A_110 = arith.constant 3072 : i32
          %dma_start3A_111 = tpu.memref_slice %arg10[%dma_start3A_110] : memref<5120xf32, #tpu.memory_space<vmem>> -> memref<1024xf32, #tpu.memory_space<vmem>>
          %dma_start3A_112 = tpu.memref_slice %arg7[%add3A_66, %add3A, %mul3A_0] : memref<50x32x16384xf32, #tpu.memory_space<hbm>> -> memref<1x1x1024xf32, #tpu.memory_space<hbm>>
          %dma_start3A_113 = tpu.memref_squeeze %dma_start3A_112 : memref<1x1x1024xf32, #tpu.memory_space<hbm>> -> memref<1024xf32, #tpu.memory_space<hbm>>
          %dma_start3A_114 = tpu.memref_slice %arg7[%add3A_66, %add3A, %mul3A_0] : memref<50x32x16384xf32, #tpu.memory_space<hbm>> -> memref<1x1x1024xf32, #tpu.memory_space<hbm>>
          %dma_start3A_115 = tpu.memref_squeeze %dma_start3A_114 : memref<1x1x1024xf32, #tpu.memory_space<hbm>> -> memref<1024xf32, #tpu.memory_space<hbm>>
          %dma_start3A_116 = arith.constant 3072 : i32
          %dma_start3A_117 = tpu.memref_slice %arg10[%dma_start3A_116] : memref<5120xf32, #tpu.memory_space<vmem>> -> memref<1024xf32, #tpu.memory_space<vmem>>
          tpu.enqueue_dma source(%dma_start3A_117 : memref<1024xf32, #tpu.memory_space<vmem>>) target(%dma_start3A_115 : memref<1024xf32, #tpu.memory_space<hbm>>) target_semaphore(%run_scoped3A : memref<!tpu.dma_semaphore, #tpu.memory_space<semaphore_mem>>)
          %dma_wait3A_118 = arith.constant 3072 : i32
          %dma_wait3A_119 = tpu.memref_slice %arg10[%dma_wait3A_118] : memref<5120xf32, #tpu.memory_space<vmem>> -> memref<1024xf32, #tpu.memory_space<vmem>>
          %dma_wait3A_120 = tpu.memref_slice %arg7[%add3A_66, %add3A, %mul3A_0] : memref<50x32x16384xf32, #tpu.memory_space<hbm>> -> memref<1x1x1024xf32, #tpu.memory_space<hbm>>
          %dma_wait3A_121 = tpu.memref_squeeze %dma_wait3A_120 : memref<1x1x1024xf32, #tpu.memory_space<hbm>> -> memref<1024xf32, #tpu.memory_space<hbm>>
          %dma_wait3A_122 = tpu.memref_slice %arg7[%add3A_66, %add3A, %mul3A_0] : memref<50x32x16384xf32, #tpu.memory_space<hbm>> -> memref<1x1x1024xf32, #tpu.memory_space<hbm>>
          %dma_wait3A_123 = tpu.memref_squeeze %dma_wait3A_122 : memref<1x1x1024xf32, #tpu.memory_space<hbm>> -> memref<1024xf32, #tpu.memory_space<hbm>>
          %dma_wait3A_124 = arith.constant 3072 : i32
          %dma_wait3A_125 = tpu.memref_slice %arg10[%dma_wait3A_124] : memref<5120xf32, #tpu.memory_space<vmem>> -> memref<1024xf32, #tpu.memory_space<vmem>>
          tpu.wait_dma2 semaphore(%run_scoped3A : memref<!tpu.dma_semaphore, #tpu.memory_space<semaphore_mem>>) src(%dma_wait3A_125 : memref<1024xf32, #tpu.memory_space<vmem>>) dst(%dma_wait3A_123 : memref<1024xf32, #tpu.memory_space<hbm>>)
          tpu.yield
        }) : () -> ()
        %mul3A_67 = arith.constant 5 : i32
        %mul3A_68 = arith.muli %mul3A_67, %add3A_47 : i32
        %add3A_69 = arith.constant 4 : i32
        %add3A_70 = arith.addi %mul3A_68, %add3A_69 : i32
        "tpu.region"() ({
          %run_scoped3A = tpu.sem_alloc : memref<!tpu.dma_semaphore, #tpu.memory_space<semaphore_mem>>
          %dma_start3A_110 = arith.constant 4096 : i32
          %dma_start3A_111 = tpu.memref_slice %arg10[%dma_start3A_110] : memref<5120xf32, #tpu.memory_space<vmem>> -> memref<1024xf32, #tpu.memory_space<vmem>>
          %dma_start3A_112 = tpu.memref_slice %arg7[%add3A_70, %add3A, %mul3A_0] : memref<50x32x16384xf32, #tpu.memory_space<hbm>> -> memref<1x1x1024xf32, #tpu.memory_space<hbm>>
          %dma_start3A_113 = tpu.memref_squeeze %dma_start3A_112 : memref<1x1x1024xf32, #tpu.memory_space<hbm>> -> memref<1024xf32, #tpu.memory_space<hbm>>
          %dma_start3A_114 = tpu.memref_slice %arg7[%add3A_70, %add3A, %mul3A_0] : memref<50x32x16384xf32, #tpu.memory_space<hbm>> -> memref<1x1x1024xf32, #tpu.memory_space<hbm>>
          %dma_start3A_115 = tpu.memref_squeeze %dma_start3A_114 : memref<1x1x1024xf32, #tpu.memory_space<hbm>> -> memref<1024xf32, #tpu.memory_space<hbm>>
          %dma_start3A_116 = arith.constant 4096 : i32
          %dma_start3A_117 = tpu.memref_slice %arg10[%dma_start3A_116] : memref<5120xf32, #tpu.memory_space<vmem>> -> memref<1024xf32, #tpu.memory_space<vmem>>
          tpu.enqueue_dma source(%dma_start3A_117 : memref<1024xf32, #tpu.memory_space<vmem>>) target(%dma_start3A_115 : memref<1024xf32, #tpu.memory_space<hbm>>) target_semaphore(%run_scoped3A : memref<!tpu.dma_semaphore, #tpu.memory_space<semaphore_mem>>)
          %dma_wait3A_118 = arith.constant 4096 : i32
          %dma_wait3A_119 = tpu.memref_slice %arg10[%dma_wait3A_118] : memref<5120xf32, #tpu.memory_space<vmem>> -> memref<1024xf32, #tpu.memory_space<vmem>>
          %dma_wait3A_120 = tpu.memref_slice %arg7[%add3A_70, %add3A, %mul3A_0] : memref<50x32x16384xf32, #tpu.memory_space<hbm>> -> memref<1x1x1024xf32, #tpu.memory_space<hbm>>
          %dma_wait3A_121 = tpu.memref_squeeze %dma_wait3A_120 : memref<1x1x1024xf32, #tpu.memory_space<hbm>> -> memref<1024xf32, #tpu.memory_space<hbm>>
          %dma_wait3A_122 = tpu.memref_slice %arg7[%add3A_70, %add3A, %mul3A_0] : memref<50x32x16384xf32, #tpu.memory_space<hbm>> -> memref<1x1x1024xf32, #tpu.memory_space<hbm>>
          %dma_wait3A_123 = tpu.memref_squeeze %dma_wait3A_122 : memref<1x1x1024xf32, #tpu.memory_space<hbm>> -> memref<1024xf32, #tpu.memory_space<hbm>>
          %dma_wait3A_124 = arith.constant 4096 : i32
          %dma_wait3A_125 = tpu.memref_slice %arg10[%dma_wait3A_124] : memref<5120xf32, #tpu.memory_space<vmem>> -> memref<1024xf32, #tpu.memory_space<vmem>>
          tpu.wait_dma2 semaphore(%run_scoped3A : memref<!tpu.dma_semaphore, #tpu.memory_space<semaphore_mem>>) src(%dma_wait3A_125 : memref<1024xf32, #tpu.memory_space<vmem>>) dst(%dma_wait3A_123 : memref<1024xf32, #tpu.memory_space<hbm>>)
          tpu.yield
        }) : () -> ()
        %add3A_71 = arith.constant 2 : i32
        %add3A_72 = arith.addi %add3A_47, %add3A_71 : i32
        %lt3A = arith.constant 10 : i32
        %lt3A_73 = arith.cmpi slt, %add3A_72, %lt3A : i32
        %convert_element_type3A_74 = arith.extui %lt3A_73 : i1 to i32
        %cond3A_75 = arith.constant 0 : i32
        %cond3A_76 = arith.cmpi ne, %convert_element_type3A_74, %cond3A_75 : i32
        scf.if %cond3A_76 {
          %add3A_110 = arith.constant 2 : i32
          %add3A_111 = arith.addi %add3A_47, %add3A_110 : i32
          %mul3A_112 = arith.constant 5120 : i32
          %mul3A_113 = arith.muli %add3A_111, %mul3A_112 : i32
          %dma_start3A_114 = tpu.memref_slice %arg9[%mul3A_113] : memref<51200xi32, #tpu.memory_space<vmem>> -> memref<5120xi32, #tpu.memory_space<vmem>>
          %dma_start3A_115 = arith.constant 0 : i32
          %dma_start3A_116 = tpu.memref_slice %arg8[%dma_start3A_115] : memref<1000000xf32, #tpu.memory_space<vmem_shared>> -> memref<1000000xf32, #tpu.memory_space<vmem_shared>>
          tpu.enqueue_indirect_dma source(%dma_start3A_116 : memref<1000000xf32, #tpu.memory_space<vmem_shared>>) target(%arg10 : memref<5120xf32, #tpu.memory_space<vmem>>) offsets(%dma_start3A_114 : memref<5120xi32, #tpu.memory_space<vmem>>) semaphore(%arg12 : memref<!tpu.dma_semaphore, #tpu.memory_space<semaphore_mem>>)
        } else {
        }
        %add3A_77 = arith.constant 1 : i32
        %add3A_78 = arith.addi %mul3A_45, %add3A_77 : i32
        %dma_wait3A_79 = arith.constant 0 : i32
        %dma_wait3A_80 = tpu.memref_slice %arg8[%dma_wait3A_79] : memref<1000000xf32, #tpu.memory_space<vmem_shared>> -> memref<5120xf32, #tpu.memory_space<vmem_shared>>
        %dma_wait3A_81 = arith.constant 0 : i32
        %dma_wait3A_82 = tpu.memref_slice %arg8[%dma_wait3A_81] : memref<1000000xf32, #tpu.memory_space<vmem_shared>> -> memref<5120xf32, #tpu.memory_space<vmem_shared>>
        tpu.wait_dma2 semaphore(%arg13 : memref<!tpu.dma_semaphore, #tpu.memory_space<semaphore_mem>>) src(%dma_wait3A_82 : memref<5120xf32, #tpu.memory_space<vmem_shared>>) dst(%arg11 : memref<5120xf32, #tpu.memory_space<vmem>>)
        %mul3A_83 = arith.constant 5 : i32
        %mul3A_84 = arith.muli %mul3A_83, %add3A_78 : i32
        %add3A_85 = arith.constant 0 : i32
        %add3A_86 = arith.addi %mul3A_84, %add3A_85 : i32
        "tpu.region"() ({
          %run_scoped3A = tpu.sem_alloc : memref<!tpu.dma_semaphore, #tpu.memory_space<semaphore_mem>>
          %dma_start3A_110 = arith.constant 0 : i32
          %dma_start3A_111 = tpu.memref_slice %arg11[%dma_start3A_110] : memref<5120xf32, #tpu.memory_space<vmem>> -> memref<1024xf32, #tpu.memory_space<vmem>>
          %dma_start3A_112 = tpu.memref_slice %arg7[%add3A_86, %add3A, %mul3A_0] : memref<50x32x16384xf32, #tpu.memory_space<hbm>> -> memref<1x1x1024xf32, #tpu.memory_space<hbm>>
          %dma_start3A_113 = tpu.memref_squeeze %dma_start3A_112 : memref<1x1x1024xf32, #tpu.memory_space<hbm>> -> memref<1024xf32, #tpu.memory_space<hbm>>
          %dma_start3A_114 = tpu.memref_slice %arg7[%add3A_86, %add3A, %mul3A_0] : memref<50x32x16384xf32, #tpu.memory_space<hbm>> -> memref<1x1x1024xf32, #tpu.memory_space<hbm>>
          %dma_start3A_115 = tpu.memref_squeeze %dma_start3A_114 : memref<1x1x1024xf32, #tpu.memory_space<hbm>> -> memref<1024xf32, #tpu.memory_space<hbm>>
          %dma_start3A_116 = arith.constant 0 : i32
          %dma_start3A_117 = tpu.memref_slice %arg11[%dma_start3A_116] : memref<5120xf32, #tpu.memory_space<vmem>> -> memref<1024xf32, #tpu.memory_space<vmem>>
          tpu.enqueue_dma source(%dma_start3A_117 : memref<1024xf32, #tpu.memory_space<vmem>>) target(%dma_start3A_115 : memref<1024xf32, #tpu.memory_space<hbm>>) target_semaphore(%run_scoped3A : memref<!tpu.dma_semaphore, #tpu.memory_space<semaphore_mem>>)
          %dma_wait3A_118 = arith.constant 0 : i32
          %dma_wait3A_119 = tpu.memref_slice %arg11[%dma_wait3A_118] : memref<5120xf32, #tpu.memory_space<vmem>> -> memref<1024xf32, #tpu.memory_space<vmem>>
          %dma_wait3A_120 = tpu.memref_slice %arg7[%add3A_86, %add3A, %mul3A_0] : memref<50x32x16384xf32, #tpu.memory_space<hbm>> -> memref<1x1x1024xf32, #tpu.memory_space<hbm>>
          %dma_wait3A_121 = tpu.memref_squeeze %dma_wait3A_120 : memref<1x1x1024xf32, #tpu.memory_space<hbm>> -> memref<1024xf32, #tpu.memory_space<hbm>>
          %dma_wait3A_122 = tpu.memref_slice %arg7[%add3A_86, %add3A, %mul3A_0] : memref<50x32x16384xf32, #tpu.memory_space<hbm>> -> memref<1x1x1024xf32, #tpu.memory_space<hbm>>
          %dma_wait3A_123 = tpu.memref_squeeze %dma_wait3A_122 : memref<1x1x1024xf32, #tpu.memory_space<hbm>> -> memref<1024xf32, #tpu.memory_space<hbm>>
          %dma_wait3A_124 = arith.constant 0 : i32
          %dma_wait3A_125 = tpu.memref_slice %arg11[%dma_wait3A_124] : memref<5120xf32, #tpu.memory_space<vmem>> -> memref<1024xf32, #tpu.memory_space<vmem>>
          tpu.wait_dma2 semaphore(%run_scoped3A : memref<!tpu.dma_semaphore, #tpu.memory_space<semaphore_mem>>) src(%dma_wait3A_125 : memref<1024xf32, #tpu.memory_space<vmem>>) dst(%dma_wait3A_123 : memref<1024xf32, #tpu.memory_space<hbm>>)
          tpu.yield
        }) : () -> ()
        %mul3A_87 = arith.constant 5 : i32
        %mul3A_88 = arith.muli %mul3A_87, %add3A_78 : i32
        %add3A_89 = arith.constant 1 : i32
        %add3A_90 = arith.addi %mul3A_88, %add3A_89 : i32
        "tpu.region"() ({
          %run_scoped3A = tpu.sem_alloc : memref<!tpu.dma_semaphore, #tpu.memory_space<semaphore_mem>>
          %dma_start3A_110 = arith.constant 1024 : i32
          %dma_start3A_111 = tpu.memref_slice %arg11[%dma_start3A_110] : memref<5120xf32, #tpu.memory_space<vmem>> -> memref<1024xf32, #tpu.memory_space<vmem>>
          %dma_start3A_112 = tpu.memref_slice %arg7[%add3A_90, %add3A, %mul3A_0] : memref<50x32x16384xf32, #tpu.memory_space<hbm>> -> memref<1x1x1024xf32, #tpu.memory_space<hbm>>
          %dma_start3A_113 = tpu.memref_squeeze %dma_start3A_112 : memref<1x1x1024xf32, #tpu.memory_space<hbm>> -> memref<1024xf32, #tpu.memory_space<hbm>>
          %dma_start3A_114 = tpu.memref_slice %arg7[%add3A_90, %add3A, %mul3A_0] : memref<50x32x16384xf32, #tpu.memory_space<hbm>> -> memref<1x1x1024xf32, #tpu.memory_space<hbm>>
          %dma_start3A_115 = tpu.memref_squeeze %dma_start3A_114 : memref<1x1x1024xf32, #tpu.memory_space<hbm>> -> memref<1024xf32, #tpu.memory_space<hbm>>
          %dma_start3A_116 = arith.constant 1024 : i32
          %dma_start3A_117 = tpu.memref_slice %arg11[%dma_start3A_116] : memref<5120xf32, #tpu.memory_space<vmem>> -> memref<1024xf32, #tpu.memory_space<vmem>>
          tpu.enqueue_dma source(%dma_start3A_117 : memref<1024xf32, #tpu.memory_space<vmem>>) target(%dma_start3A_115 : memref<1024xf32, #tpu.memory_space<hbm>>) target_semaphore(%run_scoped3A : memref<!tpu.dma_semaphore, #tpu.memory_space<semaphore_mem>>)
          %dma_wait3A_118 = arith.constant 1024 : i32
          %dma_wait3A_119 = tpu.memref_slice %arg11[%dma_wait3A_118] : memref<5120xf32, #tpu.memory_space<vmem>> -> memref<1024xf32, #tpu.memory_space<vmem>>
          %dma_wait3A_120 = tpu.memref_slice %arg7[%add3A_90, %add3A, %mul3A_0] : memref<50x32x16384xf32, #tpu.memory_space<hbm>> -> memref<1x1x1024xf32, #tpu.memory_space<hbm>>
          %dma_wait3A_121 = tpu.memref_squeeze %dma_wait3A_120 : memref<1x1x1024xf32, #tpu.memory_space<hbm>> -> memref<1024xf32, #tpu.memory_space<hbm>>
          %dma_wait3A_122 = tpu.memref_slice %arg7[%add3A_90, %add3A, %mul3A_0] : memref<50x32x16384xf32, #tpu.memory_space<hbm>> -> memref<1x1x1024xf32, #tpu.memory_space<hbm>>
          %dma_wait3A_123 = tpu.memref_squeeze %dma_wait3A_122 : memref<1x1x1024xf32, #tpu.memory_space<hbm>> -> memref<1024xf32, #tpu.memory_space<hbm>>
          %dma_wait3A_124 = arith.constant 1024 : i32
          %dma_wait3A_125 = tpu.memref_slice %arg11[%dma_wait3A_124] : memref<5120xf32, #tpu.memory_space<vmem>> -> memref<1024xf32, #tpu.memory_space<vmem>>
          tpu.wait_dma2 semaphore(%run_scoped3A : memref<!tpu.dma_semaphore, #tpu.memory_space<semaphore_mem>>) src(%dma_wait3A_125 : memref<1024xf32, #tpu.memory_space<vmem>>) dst(%dma_wait3A_123 : memref<1024xf32, #tpu.memory_space<hbm>>)
          tpu.yield
        }) : () -> ()
        %mul3A_91 = arith.constant 5 : i32
        %mul3A_92 = arith.muli %mul3A_91, %add3A_78 : i32
        %add3A_93 = arith.constant 2 : i32
        %add3A_94 = arith.addi %mul3A_92, %add3A_93 : i32
        "tpu.region"() ({
          %run_scoped3A = tpu.sem_alloc : memref<!tpu.dma_semaphore, #tpu.memory_space<semaphore_mem>>
          %dma_start3A_110 = arith.constant 2048 : i32
          %dma_start3A_111 = tpu.memref_slice %arg11[%dma_start3A_110] : memref<5120xf32, #tpu.memory_space<vmem>> -> memref<1024xf32, #tpu.memory_space<vmem>>
          %dma_start3A_112 = tpu.memref_slice %arg7[%add3A_94, %add3A, %mul3A_0] : memref<50x32x16384xf32, #tpu.memory_space<hbm>> -> memref<1x1x1024xf32, #tpu.memory_space<hbm>>
          %dma_start3A_113 = tpu.memref_squeeze %dma_start3A_112 : memref<1x1x1024xf32, #tpu.memory_space<hbm>> -> memref<1024xf32, #tpu.memory_space<hbm>>
          %dma_start3A_114 = tpu.memref_slice %arg7[%add3A_94, %add3A, %mul3A_0] : memref<50x32x16384xf32, #tpu.memory_space<hbm>> -> memref<1x1x1024xf32, #tpu.memory_space<hbm>>
          %dma_start3A_115 = tpu.memref_squeeze %dma_start3A_114 : memref<1x1x1024xf32, #tpu.memory_space<hbm>> -> memref<1024xf32, #tpu.memory_space<hbm>>
          %dma_start3A_116 = arith.constant 2048 : i32
          %dma_start3A_117 = tpu.memref_slice %arg11[%dma_start3A_116] : memref<5120xf32, #tpu.memory_space<vmem>> -> memref<1024xf32, #tpu.memory_space<vmem>>
          tpu.enqueue_dma source(%dma_start3A_117 : memref<1024xf32, #tpu.memory_space<vmem>>) target(%dma_start3A_115 : memref<1024xf32, #tpu.memory_space<hbm>>) target_semaphore(%run_scoped3A : memref<!tpu.dma_semaphore, #tpu.memory_space<semaphore_mem>>)
          %dma_wait3A_118 = arith.constant 2048 : i32
          %dma_wait3A_119 = tpu.memref_slice %arg11[%dma_wait3A_118] : memref<5120xf32, #tpu.memory_space<vmem>> -> memref<1024xf32, #tpu.memory_space<vmem>>
          %dma_wait3A_120 = tpu.memref_slice %arg7[%add3A_94, %add3A, %mul3A_0] : memref<50x32x16384xf32, #tpu.memory_space<hbm>> -> memref<1x1x1024xf32, #tpu.memory_space<hbm>>
          %dma_wait3A_121 = tpu.memref_squeeze %dma_wait3A_120 : memref<1x1x1024xf32, #tpu.memory_space<hbm>> -> memref<1024xf32, #tpu.memory_space<hbm>>
          %dma_wait3A_122 = tpu.memref_slice %arg7[%add3A_94, %add3A, %mul3A_0] : memref<50x32x16384xf32, #tpu.memory_space<hbm>> -> memref<1x1x1024xf32, #tpu.memory_space<hbm>>
          %dma_wait3A_123 = tpu.memref_squeeze %dma_wait3A_122 : memref<1x1x1024xf32, #tpu.memory_space<hbm>> -> memref<1024xf32, #tpu.memory_space<hbm>>
          %dma_wait3A_124 = arith.constant 2048 : i32
          %dma_wait3A_125 = tpu.memref_slice %arg11[%dma_wait3A_124] : memref<5120xf32, #tpu.memory_space<vmem>> -> memref<1024xf32, #tpu.memory_space<vmem>>
          tpu.wait_dma2 semaphore(%run_scoped3A : memref<!tpu.dma_semaphore, #tpu.memory_space<semaphore_mem>>) src(%dma_wait3A_125 : memref<1024xf32, #tpu.memory_space<vmem>>) dst(%dma_wait3A_123 : memref<1024xf32, #tpu.memory_space<hbm>>)
          tpu.yield
        }) : () -> ()
        %mul3A_95 = arith.constant 5 : i32
        %mul3A_96 = arith.muli %mul3A_95, %add3A_78 : i32
        %add3A_97 = arith.constant 3 : i32
        %add3A_98 = arith.addi %mul3A_96, %add3A_97 : i32
        "tpu.region"() ({
          %run_scoped3A = tpu.sem_alloc : memref<!tpu.dma_semaphore, #tpu.memory_space<semaphore_mem>>
          %dma_start3A_110 = arith.constant 3072 : i32
          %dma_start3A_111 = tpu.memref_slice %arg11[%dma_start3A_110] : memref<5120xf32, #tpu.memory_space<vmem>> -> memref<1024xf32, #tpu.memory_space<vmem>>
          %dma_start3A_112 = tpu.memref_slice %arg7[%add3A_98, %add3A, %mul3A_0] : memref<50x32x16384xf32, #tpu.memory_space<hbm>> -> memref<1x1x1024xf32, #tpu.memory_space<hbm>>
          %dma_start3A_113 = tpu.memref_squeeze %dma_start3A_112 : memref<1x1x1024xf32, #tpu.memory_space<hbm>> -> memref<1024xf32, #tpu.memory_space<hbm>>
          %dma_start3A_114 = tpu.memref_slice %arg7[%add3A_98, %add3A, %mul3A_0] : memref<50x32x16384xf32, #tpu.memory_space<hbm>> -> memref<1x1x1024xf32, #tpu.memory_space<hbm>>
          %dma_start3A_115 = tpu.memref_squeeze %dma_start3A_114 : memref<1x1x1024xf32, #tpu.memory_space<hbm>> -> memref<1024xf32, #tpu.memory_space<hbm>>
          %dma_start3A_116 = arith.constant 3072 : i32
          %dma_start3A_117 = tpu.memref_slice %arg11[%dma_start3A_116] : memref<5120xf32, #tpu.memory_space<vmem>> -> memref<1024xf32, #tpu.memory_space<vmem>>
          tpu.enqueue_dma source(%dma_start3A_117 : memref<1024xf32, #tpu.memory_space<vmem>>) target(%dma_start3A_115 : memref<1024xf32, #tpu.memory_space<hbm>>) target_semaphore(%run_scoped3A : memref<!tpu.dma_semaphore, #tpu.memory_space<semaphore_mem>>)
          %dma_wait3A_118 = arith.constant 3072 : i32
          %dma_wait3A_119 = tpu.memref_slice %arg11[%dma_wait3A_118] : memref<5120xf32, #tpu.memory_space<vmem>> -> memref<1024xf32, #tpu.memory_space<vmem>>
          %dma_wait3A_120 = tpu.memref_slice %arg7[%add3A_98, %add3A, %mul3A_0] : memref<50x32x16384xf32, #tpu.memory_space<hbm>> -> memref<1x1x1024xf32, #tpu.memory_space<hbm>>
          %dma_wait3A_121 = tpu.memref_squeeze %dma_wait3A_120 : memref<1x1x1024xf32, #tpu.memory_space<hbm>> -> memref<1024xf32, #tpu.memory_space<hbm>>
          %dma_wait3A_122 = tpu.memref_slice %arg7[%add3A_98, %add3A, %mul3A_0] : memref<50x32x16384xf32, #tpu.memory_space<hbm>> -> memref<1x1x1024xf32, #tpu.memory_space<hbm>>
          %dma_wait3A_123 = tpu.memref_squeeze %dma_wait3A_122 : memref<1x1x1024xf32, #tpu.memory_space<hbm>> -> memref<1024xf32, #tpu.memory_space<hbm>>
          %dma_wait3A_124 = arith.constant 3072 : i32
          %dma_wait3A_125 = tpu.memref_slice %arg11[%dma_wait3A_124] : memref<5120xf32, #tpu.memory_space<vmem>> -> memref<1024xf32, #tpu.memory_space<vmem>>
          tpu.wait_dma2 semaphore(%run_scoped3A : memref<!tpu.dma_semaphore, #tpu.memory_space<semaphore_mem>>) src(%dma_wait3A_125 : memref<1024xf32, #tpu.memory_space<vmem>>) dst(%dma_wait3A_123 : memref<1024xf32, #tpu.memory_space<hbm>>)
          tpu.yield
        }) : () -> ()
        %mul3A_99 = arith.constant 5 : i32
        %mul3A_100 = arith.muli %mul3A_99, %add3A_78 : i32
        %add3A_101 = arith.constant 4 : i32
        %add3A_102 = arith.addi %mul3A_100, %add3A_101 : i32
        "tpu.region"() ({
          %run_scoped3A = tpu.sem_alloc : memref<!tpu.dma_semaphore, #tpu.memory_space<semaphore_mem>>
          %dma_start3A_110 = arith.constant 4096 : i32
          %dma_start3A_111 = tpu.memref_slice %arg11[%dma_start3A_110] : memref<5120xf32, #tpu.memory_space<vmem>> -> memref<1024xf32, #tpu.memory_space<vmem>>
          %dma_start3A_112 = tpu.memref_slice %arg7[%add3A_102, %add3A, %mul3A_0] : memref<50x32x16384xf32, #tpu.memory_space<hbm>> -> memref<1x1x1024xf32, #tpu.memory_space<hbm>>
          %dma_start3A_113 = tpu.memref_squeeze %dma_start3A_112 : memref<1x1x1024xf32, #tpu.memory_space<hbm>> -> memref<1024xf32, #tpu.memory_space<hbm>>
          %dma_start3A_114 = tpu.memref_slice %arg7[%add3A_102, %add3A, %mul3A_0] : memref<50x32x16384xf32, #tpu.memory_space<hbm>> -> memref<1x1x1024xf32, #tpu.memory_space<hbm>>
          %dma_start3A_115 = tpu.memref_squeeze %dma_start3A_114 : memref<1x1x1024xf32, #tpu.memory_space<hbm>> -> memref<1024xf32, #tpu.memory_space<hbm>>
          %dma_start3A_116 = arith.constant 4096 : i32
          %dma_start3A_117 = tpu.memref_slice %arg11[%dma_start3A_116] : memref<5120xf32, #tpu.memory_space<vmem>> -> memref<1024xf32, #tpu.memory_space<vmem>>
          tpu.enqueue_dma source(%dma_start3A_117 : memref<1024xf32, #tpu.memory_space<vmem>>) target(%dma_start3A_115 : memref<1024xf32, #tpu.memory_space<hbm>>) target_semaphore(%run_scoped3A : memref<!tpu.dma_semaphore, #tpu.memory_space<semaphore_mem>>)
          %dma_wait3A_118 = arith.constant 4096 : i32
          %dma_wait3A_119 = tpu.memref_slice %arg11[%dma_wait3A_118] : memref<5120xf32, #tpu.memory_space<vmem>> -> memref<1024xf32, #tpu.memory_space<vmem>>
          %dma_wait3A_120 = tpu.memref_slice %arg7[%add3A_102, %add3A, %mul3A_0] : memref<50x32x16384xf32, #tpu.memory_space<hbm>> -> memref<1x1x1024xf32, #tpu.memory_space<hbm>>
          %dma_wait3A_121 = tpu.memref_squeeze %dma_wait3A_120 : memref<1x1x1024xf32, #tpu.memory_space<hbm>> -> memref<1024xf32, #tpu.memory_space<hbm>>
          %dma_wait3A_122 = tpu.memref_slice %arg7[%add3A_102, %add3A, %mul3A_0] : memref<50x32x16384xf32, #tpu.memory_space<hbm>> -> memref<1x1x1024xf32, #tpu.memory_space<hbm>>
          %dma_wait3A_123 = tpu.memref_squeeze %dma_wait3A_122 : memref<1x1x1024xf32, #tpu.memory_space<hbm>> -> memref<1024xf32, #tpu.memory_space<hbm>>
          %dma_wait3A_124 = arith.constant 4096 : i32
          %dma_wait3A_125 = tpu.memref_slice %arg11[%dma_wait3A_124] : memref<5120xf32, #tpu.memory_space<vmem>> -> memref<1024xf32, #tpu.memory_space<vmem>>
          tpu.wait_dma2 semaphore(%run_scoped3A : memref<!tpu.dma_semaphore, #tpu.memory_space<semaphore_mem>>) src(%dma_wait3A_125 : memref<1024xf32, #tpu.memory_space<vmem>>) dst(%dma_wait3A_123 : memref<1024xf32, #tpu.memory_space<hbm>>)
          tpu.yield
        }) : () -> ()
        %add3A_103 = arith.constant 2 : i32
        %add3A_104 = arith.addi %add3A_78, %add3A_103 : i32
        %lt3A_105 = arith.constant 10 : i32
        %lt3A_106 = arith.cmpi slt, %add3A_104, %lt3A_105 : i32
        %convert_element_type3A_107 = arith.extui %lt3A_106 : i1 to i32
        %cond3A_108 = arith.constant 0 : i32
        %cond3A_109 = arith.cmpi ne, %convert_element_type3A_107, %cond3A_108 : i32
        scf.if %cond3A_109 {
          %add3A_110 = arith.constant 2 : i32
          %add3A_111 = arith.addi %add3A_78, %add3A_110 : i32
          %mul3A_112 = arith.constant 5120 : i32
          %mul3A_113 = arith.muli %add3A_111, %mul3A_112 : i32
          %dma_start3A_114 = tpu.memref_slice %arg9[%mul3A_113] : memref<51200xi32, #tpu.memory_space<vmem>> -> memref<5120xi32, #tpu.memory_space<vmem>>
          %dma_start3A_115 = arith.constant 0 : i32
          %dma_start3A_116 = tpu.memref_slice %arg8[%dma_start3A_115] : memref<1000000xf32, #tpu.memory_space<vmem_shared>> -> memref<1000000xf32, #tpu.memory_space<vmem_shared>>
          tpu.enqueue_indirect_dma source(%dma_start3A_116 : memref<1000000xf32, #tpu.memory_space<vmem_shared>>) target(%arg11 : memref<5120xf32, #tpu.memory_space<vmem>>) offsets(%dma_start3A_114 : memref<5120xi32, #tpu.memory_space<vmem>>) semaphore(%arg13 : memref<!tpu.dma_semaphore, #tpu.memory_space<semaphore_mem>>)
        } else {
        }
      }
      %scan3A_42 = arith.constant 5 : i32
    }
    %scan3A_23 = arith.constant 16 : i32
    return
  }
}

</mosaic_0001>

<sc_bundles>
// kernel: _dual_gather.3.cloned.1.call-start
scs
__scs_entry_jumppad:
0x0: {  	(pc) =	sbr.rel $0x88, $3  }
0x1: {  	(tag) =	ssettag $0x0;
	lr =	simm.s32 $0x1  }
0x2: {  	[smem:$0x3F9D] =	sst lr;
	_ =	strace $0xD0000000  }
0x3: {  	_ = 	snop  }
0x4: {  	_ = 	snop  }
0x5: {  	_ = 	snop  }
0x6: {  	_ = 	snop  }
0x7: {  	_ = 	snop  }
__scs_overlays_trampoline_lowered:
0x8: {  	[smem:$0x3FAC] =	sst s0  }
0x9: {  	[smem:$0x3FAD] =	sst s1  }
0xa: {  	[smem:$0x3FAE] =	sst s2  }
0xb: {  	[smem:$0x3FAF] =	sst s3  }
0xc: {  	[smem:$0x3FB0] =	sst s4  }
0xd: {  	[smem:$0x3FB1] =	sst s5  }
0xe: {  	[smem:$0x3FB2] =	sst s6  }
0xf: {  	[smem:$0x3FB3] =	sst s7  }
0x10: {  	[smem:$0x3FB4] =	sst s8  }
0x11: {  	[smem:$0x3FB5] =	sst s9;
	s0 =	simm.s32 @!p0 $0x0  }
0x12: {  	s1 =	sld [smem:$0x3F9B];
	s0 =	simm.s32 @p0 $0x1  }
0x13: {  	[smem:$0x3FB6] =	sst s0;
	s0 =	simm.s32 @!p1 $0x0  }
0x14: {  	s2 =	sld [smem:$0x3F9A];
	s0 =	simm.s32 @p1 $0x1  }
0x15: {  	[smem:$0x3FB7] =	sst s0;
	s0 =	simm.s32 @!p2 $0x0  }
0x16: {  	s3 =	sld [smem:$0x3FDB];
	s0 =	simm.s32 @p2 $0x1  }
0x17: {  	s4 =	simm.s32 $0x1BF5;
	[smem:$0x3FB9] =	sst s0  }
0x18: {  	s0 =	sld [smem:$0x3F9C];
	_ =	swait.ge [sflag:s4], $0x0  }
0x19: {  	s7 =	sld [smem:$0x3F9D]  }
0x1a: {  	s8 =	sadd.s32 $0xFFFFE003, lr  }
0x1b: {  	s9 =	sadd.s32 $0xFFFFFEF7, lr;
	s5 =	simm.s32 $0xFFFFFFFF;
	p2 =	slt.u32 s8, $0xFFFFF086  }
0x1c: {  	p1 =	slt.u32 s9, $0xF7A;
	s5 =	simm.s32 @!p2 $0x0  }
0x1d: {  	s5 =	simm.s32 @p1 $0x1;
	p0 =	seq.s32 s7, s2  }
0x1e: {  	s7 =	smul.u32 @!p0 $0xF7A, s2;
	p2 =	seq.s32 @!p0 s5, $0x0  }
0x1f: {  	s9 =	smul.u32 $0xF7A, s1;
	s8 =	simm.s32 @!p0 $0x1BF5;
	p2 =	por !p2, p0  }
0x20: {  	[sflag:s8] =	ssyncset.s32 @!p0 $0xFFFFF086;
	s6 =	sadd.s32 @!p0 s3, s7;
	s7 =	simm.s32 @!p0 $0x108  }
0x21: {  	s3 =	sadd.s32 s3, s9;
	s6 =	sadd.s32 @!p0 $0x88, s6;
	s7 =	simm.s32 @p2 $0x1082  }
0x22: {  	[simem:s7], [sflag:s8] =	dma.local @!p0 [hbm:s6], $0xF7A  }
0x23: {  	s9 =	sor.u32 $0xD0000000, s2;
	s6 =	simm.s32 $0x108;
	_ =	swait.ge @!p0 [sflag:s8], $0x0  }
0x24: {  	s3 =	sadd.s32 $0x88, s3;
	s6 =	simm.s32 @!p1 $0x1082;
	[sflag:s4] =	ssyncset.s32 $0xFFFFF086  }
0x25: {  	[simem:s6], [sflag:s4] =	dma.local [hbm:s3], $0xF7A  }
0x26: {  	[smem:$0x3F9D] =	sst s1;
	(tag) =	ssettag s2;
	_ =	strace s9  }
0x27: {  	s1 =	sld [smem:$0x3FAD]  }
0x28: {  	s2 =	sld [smem:$0x3FAE]  }
0x29: {  	s4 =	sld [smem:$0x3FB0]  }
0x2a: {  	p0 =	seq.s32 s5, $0x0;
	s5 =	sld [smem:$0x3FB1]  }
0x2b: {  	s6 =	sld [smem:$0x3FB2]  }
0x2c: {  	s7 =	sld [smem:$0x3FB3]  }
0x2d: {  	s3 =	simm.s32 $0x108;
	s8 =	sld [smem:$0x3FB4]  }
0x2e: {  	s3 =	simm.s32 @!p0 $0x1082;
	s9 =	sld [smem:$0x3FB5]  }
0x2f: {  	lr =	sadd.s32 s0, s3;
	s0 =	sld [smem:$0x3FAC]  }
0x30: {  	s3 =	sld [smem:$0x3FAF]  }
0x31: {  	[smem:$0x3FB8] =	sst s10  }
0x32: {  	s10 =	sld [smem:$0x3FB6];
	_ =	sdelay $0x3  }
0x33: {  	p0 =	seq.s32 s10, $0x1;
	s10 =	sld [smem:$0x3FB8];
	_ =	sdelay $0x3  }
0x34: {  	[smem:$0x3FB8] =	sst s10  }
0x35: {  	s10 =	sld [smem:$0x3FB7];
	_ =	sdelay $0x3  }
0x36: {  	p1 =	seq.s32 s10, $0x1;
	s10 =	sld [smem:$0x3FB8];
	_ =	sdelay $0x3  }
0x37: {  	[smem:$0x3FB8] =	sst s10  }
0x38: {  	s10 =	sld [smem:$0x3FB9]  }
0x39: {  	_ = 	snop;
	(pc) =	sbr.ind lr, $3  }
0x3a: {  	_ = 	snop  }
0x3b: {  	_ = 	snop  }
0x3c: {  	p2 =	seq.s32 s10, $0x1;
	s10 =	sld [smem:$0x3FB8]  }
0x3d: {  	_ =	shalt  }
0x3e: {  	_ =	shalt  }
0x3f: {  	_ =	shalt  }
0x40: {  	_ =	shalt  }
0x41: {  	_ =	shalt  }
0x42: {  	_ =	shalt  }
0x43: {  	_ =	shalt  }
0x44: {  	_ =	shalt  }
0x45: {  	_ =	shalt  }
0x46: {  	_ =	shalt  }
0x47: {  	_ =	shalt  }
0x48: {  	_ =	shalt  }
0x49: {  	_ =	shalt  }
0x4a: {  	_ =	shalt  }
0x4b: {  	_ =	shalt  }
0x4c: {  	_ =	shalt  }
0x4d: {  	_ =	shalt  }
0x4e: {  	_ =	shalt  }
0x4f: {  	_ =	shalt  }
0x50: {  	_ =	shalt  }
0x51: {  	_ =	shalt  }
0x52: {  	_ =	shalt  }
0x53: {  	_ =	shalt  }
0x54: {  	_ =	shalt  }
0x55: {  	_ =	shalt  }
0x56: {  	_ =	shalt  }
0x57: {  	_ =	shalt  }
0x58: {  	_ =	shalt  }
0x59: {  	_ =	shalt  }
0x5a: {  	_ =	shalt  }
0x5b: {  	_ =	shalt  }
0x5c: {  	_ =	shalt  }
0x5d: {  	_ =	shalt  }
0x5e: {  	_ =	shalt  }
0x5f: {  	_ =	shalt  }
0x60: {  	_ =	shalt  }
0x61: {  	_ =	shalt  }
0x62: {  	_ =	shalt  }
0x63: {  	_ =	shalt  }
0x64: {  	_ =	shalt  }
0x65: {  	_ =	shalt  }
0x66: {  	_ =	shalt  }
0x67: {  	_ =	shalt  }
0x68: {  	_ =	shalt  }
0x69: {  	_ =	shalt  }
0x6a: {  	_ =	shalt  }
0x6b: {  	_ =	shalt  }
0x6c: {  	_ =	shalt  }
0x6d: {  	_ =	shalt  }
0x6e: {  	_ =	shalt  }
0x6f: {  	_ =	shalt  }
0x70: {  	_ =	shalt  }
0x71: {  	_ =	shalt  }
0x72: {  	_ =	shalt  }
0x73: {  	_ =	shalt  }
0x74: {  	_ =	shalt  }
0x75: {  	_ =	shalt  }
0x76: {  	_ =	shalt  }
0x77: {  	_ =	shalt  }
0x78: {  	_ =	shalt  }
0x79: {  	_ =	shalt  }
0x7a: {  	_ =	shalt  }
0x7b: {  	_ =	shalt  }
0x7c: {  	_ =	shalt  }
0x7d: {  	_ =	shalt  }
0x7e: {  	_ =	shalt  }
0x7f: {  	_ =	shalt  }
0x80: {  	_ =	shalt  }
0x81: {  	_ =	shalt  }
0x82: {  	_ =	shalt  }
0x83: {  	_ =	shalt  }
0x84: {  	_ =	shalt  }
0x85: {  	_ =	shalt  }
0x86: {  	_ =	shalt  }
0x87: {  	_ =	shalt  }
.Lfunc_end0:
.L_simem_size_0:
called_computation_lowered:
.L_overlay_start_0:
0x88: {  	s2 =	sld [smem:$0x3FD9]  }
0x89: {  	s3 =	sld [smem:$0x3FFE];
	_ =	sdelay $0x1  }
0x8a: {  	s1 =	srdreg.scid  }
0x8b: {  	s0 =	sand.u32 $0x1, s1  }
0x8c: {  	s15 =	sshll.u32 s0, $0xA;
	s2 =	sadd.s32 s3, s2  }
0x8d: {  	s2 =	sadd.s32 s2, s15  }
0x8e: {  	[smem:$0x3FC4] =	sst s2  }
0x8f: {  	_ = 	snop  }
0x90: {  	s2 =	sld [smem:$0x3FC9]  }
0x91: {  	s16 =	sld [smem:$0x3FD0]  }
0x92: {  	s4 =	sld [smem:$0x3FC8]  }
0x93: {  	s5 =	sld [smem:$0x3FC7]  }
0x94: {  	s7 =	simm.s32 $0xA;
	s8 =	simm.s32 $0x10;
	s6 =	sld [smem:$0x3FC6]  }
0x95: {  	[smem:s8], [sflag:s7] =	dma.local [hbm:s16], $0x1  }
0x96: {  	_ =	swait.eq [sflag:s7], $0x1  }
0x97: {  	[sflag:s7] =	ssyncset.done $0x0  }
0x98: {  	s17 =	sld [smem:$0x10];
	[sflag:s7] =	ssyncadd.s32 $0xFFFFFFFF  }
0x99: {  	s18 =	sld [smem:$0x11];
	(tm) =	ssettm $0x1  }
0x9a: {  	s19 =	sld [smem:$0x3FFB];
	_ =	sdelay $0x3  }
0x9b: {  	_ =	strace s19  }
0x9c: {  	s8 =	sld [smem:$0x3FFC];
	_ =	sdelay $0x3  }
0x9d: {  	_ =	strace s8  }
0x9e: {  	s8 =	sld [smem:$0x3FFD];
	_ =	sdelay $0x3  }
0x9f: {  	_ =	strace s8  }
0xa0: {  	_ =	strace $0x8FFFFFFF  }
0xa1: {  	s20 =	sld [smem:$0x3FDB];
	_ =	sdelay $0x1  }
0xa2: {  	s9 =	simm.s32 $_scs_section_size  }
0xa3: {  	s10 =	simm.s32 $_size__tile_overlayer_lowered;
	s11 =	simm.s32 $_tile_overlayer_lowered  }
0xa4: {  	s23 =	simm.s32 $0x1BFF;
	s22 =	sshll.u32 s11, $0x1;
	s8 =	sadd.s32 s9, s20  }
0xa5: {  	s12 =	simm.s32 $0x0;
	s21 =	sshll.u32 s10, $0x1;
	s10 =	sadd.s32 s22, s8  }
0xa6: {  	[timem:s12], [sflag:s23] =	dma.local [hbm:s10], s21  }
0xa7: {  	_ =	swait.ge [sflag:s23], s21  }
0xa8: {  	s9 =	ssub.s32 $0x0, s21;
	[sflag:s23] =	ssyncset.done $0x0  }
0xa9: {  	[sflag:s23] =	ssyncadd.s32 s9;
	_ =	sdelay $0x1  }
0xaa: {  	s24 =	simm.s32 $0x1B8B  }
0xab: {  	_ =	swait.ge [sflag:s24], $0x1  }
0xac: {  	[sflag:s24] =	ssyncset.done $0x0  }
0xad: {  	s25 =	simm.s32 $0x1B8E;
	[sflag:s24] =	ssyncadd.s32 $0xFFFFFFFF  }
0xae: {  	s26 =	simm.s32 $execute0_lowered;
	[smem:$0x3FD2] =	sst s25  }
0xaf: {  	s9 =	sshll.u32 s26, $0x1;
	_ =	strace $0x80000046;
	[dreg:$0x1] =	wrdreg $0xFFFFFFFF  }
0xb0: {  	s28 =	simm.s32 $_size_execute0_lowered;
	s8 =	sadd.s32 s8, s9;
	[dreg:$0x0] =	wrdreg $0x0  }
0xb1: {  	s9 =	sshll.u32 s28, $0x1;
	[dreg:$0x2] =	wrdreg s8  }
0xb2: {  	[dreg:$0x3] =	wrdreg s9  }
0xb3: {  	[dreg:$0x4] =	wrdreg $0xC0  }
0xb4: {  	_ =	task [dreg:s12], $0x5FFFF  }
0xb5: {  	[dreg:$0x1] =	wrdreg $0xFFFFFFFF  }
0xb6: {  	[dreg:$0x0] =	wrdreg $0x60  }
0xb7: {  	[dreg:$0x2] =	wrdreg s2  }
0xb8: {  	[dreg:$0x3] =	wrdreg s4  }
0xb9: {  	[dreg:$0x4] =	wrdreg s5  }
0xba: {  	[dreg:$0x5] =	wrdreg s6  }
0xbb: {  	[dreg:$0x6] =	wrdreg s17  }
0xbc: {  	[dreg:$0x7] =	wrdreg s18  }
0xbd: {  	[dreg:$0x8] =	wrdreg $0x0  }
0xbe: {  	[dreg:$0x9] =	wrdreg $0x9  }
0xbf: {  	_ =	task.clear_ibuf [dreg:s12], $0xAFFFF;
	_ =	strace $0x90000046  }
0xc0: {  	s29 =	simm.s32 $0x9;
	_ =	strace $0x80000048  }
0xc1: {  	_ =	swait.ge [sflag:s29], $0x1  }
0xc2: {  	[sflag:s29] =	ssyncadd.s32 $0xFFFFFFFF  }
0xc3: {  	_ =	strace $0x90000048  }
0xc4: {  	_ =	sfence  }
0xc5: {  	s30 =	sld [smem:$0x0];
	_ =	sdelay $0x2  }
0xc6: {  	s31 =	sshll.u32 s1, $0xD;
	s1 =	sshrl.u32 s1, $0x2  }
0xc7: {  	s3 =	sand.u32 $0x4000, s31;
	s1 =	sadd.s32 s1, s30  }
0xc8: {  	s0 =	sor.u32 s3, s0;
	s1 =	sshll.u32 s1, $0x11  }
0xc9: {  	s0 =	sor.u32 s1, s0  }
0xca: {  	s0 =	sadd.s32 $0x8F2B, s0  }
0xcb: {  	[sflag:s0] =	ssyncadd.remote.s32 $0x1  }
0xcc: {  	_ =	sfence.sel $0xFFFF  }
0xcd: {  	[dreg:$0x0] =	wrdreg $0xFFFFFFFF;
	(pc) =	sbr.abs _section_cstart, $3  }
0xce: {  	[dreg:$0x1] =	wrdreg $0xFFFFFFFF  }
0xcf: {  	_ =	task.clear_ibuf [dreg:s12], $0x2FFFF;
	_ =	strace $0x9FFFFFFF  }
0xd0: {  	(tm) =	ssettm $0x7FFFFFFF  }
0xd1: {  	_ =	shalt  }
tec
execute0_lowered:
.L_overlay_start_1:
0x0: {  	(tag) =	ssettag $0x1  }
0x1: {  	s0 =	rddreg [dreg:$0x2]  }
0x2: {  	s1 =	rddreg [dreg:$0x3]  }
0x3: {  	s5 =	rddreg [dreg:$0x6];
	s2 =	srdreg.scid;
	s4 =	simm.s32 $0x0  }
0x4: {  	s7 =	stileid.u32;
	s28 =	simm.s32 $0x1BC28;
	s2 =	sand.u32 $0x1, s2  }
0x5: {  	[smem:$0x7FF] =	sst s4;
	s6 =	sshll.u32 s7, $0xA;
	s17 =	sshll.u32 s7, $0xD  }
0x6: {  	_ =	strace $0x80000047;
	s16 =	sshll.u32 s2, $0x4;
	[dreg:$0xa] =	wrdreg s17  }
0x7: {  	s30 =	simm.s32 $0x1D028;
	s1 =	sadd.s32 s1, s6;
	[dreg:$0x9] =	wrdreg s16  }
0x8: {  	s31 =	simm.s32 $0x1;
	s19 =	sor.u32 $0x280000, s17;
	[dreg:$0xb] =	wrdreg s1  }
0x9: {  	s12 =	simm.s32 $0x1CC28;
	s20 =	sshll.u32 s2, $0x12;
	[dreg:$0xd] =	wrdreg s19  }
0xa: {  	s14 =	simm.s32 $0x2;
	s21 =	sor.u32 $0x300000, s17;
	[dreg:$0xe] =	wrdreg s20  }
0xb: {  	s29 =	simm.s32 $0x1DC28;
	s22 =	sor.u32 $0x380000, s17;
	[dreg:$0xf] =	wrdreg s21  }
0xc: {  	p0 =	seq.s32 s7, $0x0;
	s23 =	sor.u32 $0x400000, s17;
	[dreg:$0x10] =	wrdreg s22  }
0xd: {  	s7 =	simm.s32 $0x1C828;
	s24 =	sor.u32 $0x480000, s17;
	[dreg:$0x11] =	wrdreg s23  }
0xe: {  	s3 =	ssub.s32 $0x2, s2;
	s25 =	sor.u32 $0x200000, s17;
	[dreg:$0x12] =	wrdreg s24  }
0xf: {  	s8 =	sadd.s32 s0, s6;
	s26 =	sor.u32 $0x180000, s17;
	[dreg:$0x13] =	wrdreg s25  }
0x10: {  	s0 =	sor.u32 $0x100000, s17;
	s6 =	simm.s32 $0x1C428;
	[dreg:$0x14] =	wrdreg s26  }
.Ltmp0:
0x11: {  	s15 =	sshrl.u32 s3, $0x1;
	[dreg:$0x15] =	wrdreg s0;
	(pc) =	sbr.rel .LBB2_1-.Ltmp0, $4  }
0x12: {  	s22 =	simm.s32 $0x80;
	s23 =	simm.s32 $0x400;
	s24 =	simm.s32 $0x3  }
0x13: {  	s25 =	simm.s32 $0x1400;
	s0 =	simm.s32 $0x1D428;
	s3 =	ssub.s32 s3, s15  }
0x14: {  	s1 =	simm.s32 $0x1D828;
	[dreg:$0x8] =	wrdreg s8;
	s18 =	smax.u32 s3, $0x1  }
0x15: {  	s26 =	simm.s32 $0x1E028;
	s3 =	simm.s32 $0x0;
	[dreg:$0xc] =	wrdreg s18  }
.LBB2_15:
0x16: {  	s3 =	rddreg [dreg:$0x16]  }
0x17: {  	s2 =	rddreg [dreg:$0xc];
	s3 =	sadd.s32 $0x1, s3  }
0x18: {  	p1 =	sne.s32 s3, s2  }
.Ltmp1:
0x19: {  	_ = 	snop;
	(pc) =	sbr.rel @!p1 .LBB2_16-.Ltmp1, $2  }
0x1a: {  	_ =	sdelay $0x2  }
0x1b: {  	s8 =	rddreg [dreg:$0x8]  }
.LBB2_1:
0x1c: {  	s2 =	simm.s32 $0x0  }
0x1d: {  	s20 =	sand.u32 $0x1C000, s2  }
0x1e: {  	[dreg:$0x16] =	wrdreg s3;
	s4 =	sand.u32 $0x70, s2;
	s3 =	sadd.s32 s20, s8  }
0x1f: {  	s21 =	simm.s32 $0xF428;
	s9 =	simm.s32 $0xF428;
	s3 =	sadd.s32 s4, s3  }
0x20: {  	[tilespmem:s21], [sflag:$0x3] =	stream.strided.gather [hbm4b:s3+s22], $0x400, s23, s22, $0x38;
	[tilespmem:$0x1E428] =	vst v63  }
0x21: {  	s4 =	simm.s32 $0x10;
	s3 =	simm.s32 $0x800;
	_ =	swait.ge [sflag:s24], $0x400  }
.LBB2_2:
0x22: {  	s10 =	sand.u32 $0x1C000, s3;
	[sflag:s24] =	ssyncset.done $0x0  }
0x23: {  	s9 =	sadd.s32 $0x400, s9;
	s13 =	sand.u32 $0x70, s4;
	p1 =	sne.s32 s3, $0x18800  }
.Ltmp2:
0x24: {  	s10 =	sadd.s32 s10, s8;
	[sflag:s24] =	ssyncadd.s32 $0xFFFFFC00;
	(pc) =	sbr.rel @p1 .LBB2_2-.Ltmp2, $4  }
0x25: {  	s3 =	sadd.s32 $0x800, s3;
	s10 =	sadd.s32 s13, s10  }
0x26: {  	[tilespmem:s9], [sflag:$0x3] =	stream.strided.gather [hbm4b:s10+s22], $0x400, s23, s22, $0x38;
	[tilespmem:$0x1E428] =	vst v63  }
0x27: {  	_ = 	snop  }
0x28: {  	s4 =	sadd.s32 $0x10, s4;
	s10 =	simm.s32 $0x0;
	_ =	swait.ge [sflag:s24], $0x400  }
.Ltmp3:
0x29: {  	(pc) =	sbr.rel .LBB2_4-.Ltmp3, $3  }
0x2a: {  	_ =	sdelay $0x1  }
0x2b: {  	[sflag:s24] =	ssyncset.done $0x0  }
0x2c: {  	s8 =	rddreg [dreg:$0xe];
	[sflag:s24] =	ssyncadd.s32 $0xFFFFFC00  }
.LBB2_7:
0x2d: {  	s10 =	sadd.s32 $0x1, s10  }
0x2e: {  	p1 =	sne.s32 s10, $0x10  }
.Ltmp4:
0x2f: {  	_ = 	snop;
	(pc) =	sbr.rel @!p1 .LBB2_8-.Ltmp4, $3  }
0x30: {  	_ =	sdelay $0x1  }
0x31: {  	s8 =	rddreg [dreg:$0x18]  }
0x32: {  	s8 =	sadd.s32 $0x4000, s8  }
.LBB2_4:
0x33: {  	s2 =	rddreg [dreg:$0x9]  }
0x34: {  	s3 =	sadd.s32 s2, s10  }
0x35: {  	s3 =	sshrl.u32 @p0 s3, $0x3  }
0x36: {  	s4 =	sshll.u32 @p0 s10, $0x7;
	s3 =	smul.u32 @p0 $0x7A1400, s3  }
0x37: {  	s4 =	sand.u32 @p0 $0x380, s4  }
0x38: {  	[bflag:$0x0] =	sbarrier.arrive $0xFFFF;
	s3 =	sor.u32 @p0 s4, s3  }
0x39: {  	s9 =	simm.s32 @p0 $0x1;
	s2 =	rddreg [dreg:$0x0];
	s3 =	sshrl.u32 @p0 s3, $0x3  }
0x3a: {  	s13 =	simm.s32 @p0 $0x10;
	s3 =	sadd.s32 @p0 s2, s3;
	s2 =	sshrl.u32 @p0 s5, $0x3  }
0x3b: {  	s15 =	simm.s32 @p0 $0x80;
	s16 =	simm.s32 @p0 $0x1C03;
	[dreg:$0x17] =	wrdreg s2  }
0x3c: {  	[spmem:s2@s13], [sflag:s16] =	dma.strided @p0 [hbm:s3@s15], $0x1E850, s9, $0x10   }
0x3d: {  	s3 =	simm.s32 @p0 $0x3  }
0x3e: {  	_ =	swait.ge @p0 [sflag:s3], $0x1E850  }
0x3f: {  	[sflag:s3] =	ssyncset.done @p0 $0x0  }
0x40: {  	[sflag:s3] =	ssyncadd.s32 @p0 $0xFFFE17B0  }
0x41: {  	s15 =	simm.s32 $0xF428;
	[bflag:$0x0] =	sbarrier.arrive $0xFFFF  }
0x42: {  	[tilespmem:s28], [sflag:$0x1] =	stream.indirect.gather [spmem:s5], $0x1, s15, s25, $0xb8;
	[tilespmem:$0x1E428] =	vst v63  }
0x43: {  	[dreg:$0x18] =	wrdreg s8  }
0x44: {  	s17 =	rddreg [dreg:$0xd]  }
0x45: {  	s3 =	sshll.u32 @!p0 s10, $0x7;
	s19 =	rddreg [dreg:$0xf]  }
0x46: {  	s3 =	sand.u32 @!p0 $0x380, s3;
	s21 =	rddreg [dreg:$0x10]  }
0x47: {  	s16 =	simm.s32 $0x10828;
	s3 =	smov.u32 @p0 s4;
	s2 =	rddreg [dreg:$0x4]  }
0x48: {  	s4 =	sand.u32 $0xFFFE0000, s8;
	s20 =	sadd.s32 s3, s19;
	s19 =	rddreg [dreg:$0x12]  }
0x49: {  	s18 =	sadd.s32 s3, s17;
	s8 =	sadd.s32 s3, s21;
	s21 =	rddreg [dreg:$0x13]  }
0x4a: {  	[tilespmem:s30], [sflag:$0x2] =	stream.indirect.gather [spmem:s5], $0x1, s16, s25, $0xb8;
	[tilespmem:$0x1E428] =	vst v63  }
0x4b: {  	s9 =	sadd.s32 s4, s18;
	s13 =	sadd.s32 s4, s20;
	s17 =	sadd.s32 s4, s8  }
0x4c: {  	s20 =	sadd.s32 s3, s19;
	s9 =	sshrl.u32 s9, $0x3;
	s13 =	sshrl.u32 s13, $0x3  }
0x4d: {  	s11 =	sshrl.u32 s17, $0x3;
	s16 =	sadd.s32 s13, s2;
	s13 =	rddreg [dreg:$0x11]  }
0x4e: {  	s15 =	sadd.s32 s9, s2;
	s17 =	sadd.s32 s11, s2;
	s18 =	sadd.s32 s3, s13  }
0x4f: {  	s11 =	rddreg [dreg:$0x14];
	s13 =	sadd.s32 s4, s20;
	s9 =	sadd.s32 s4, s18  }
0x50: {  	s18 =	sadd.s32 s3, s21;
	s13 =	sshrl.u32 s13, $0x3;
	s21 =	rddreg [dreg:$0x15]  }
0x51: {  	s9 =	sshrl.u32 s9, $0x3;
	s20 =	sadd.s32 s4, s18;
	s19 =	sadd.s32 s13, s2  }
0x52: {  	s13 =	sadd.s32 s3, s11;
	s11 =	sadd.s32 s3, s21;
	s21 =	rddreg [dreg:$0xa]  }
0x53: {  	s18 =	sadd.s32 s9, s2;
	s8 =	sshrl.u32 s20, $0x3;
	s9 =	sadd.s32 s4, s13  }
0x54: {  	s13 =	sadd.s32 s4, s11;
	s3 =	sadd.s32 s3, s21;
	s20 =	sadd.s32 s8, s2  }
0x55: {  	s9 =	sshrl.u32 s9, $0x3;
	s13 =	sshrl.u32 s13, $0x3;
	s3 =	sadd.s32 s4, s3  }
0x56: {  	s4 =	simm.s32 $0x13028;
	s21 =	sadd.s32 s9, s2;
	s3 =	sshrl.u32 s3, $0x3  }
0x57: {  	s9 =	sadd.s32 s13, s2;
	s13 =	simm.s32 $0x0;
	s3 =	sadd.s32 s3, s2  }
.LBB2_5:
0x58: {  	_ =	swait.ge [sflag:s31], $0x1400  }
0x59: {  	[sflag:s31] =	ssyncset.done $0x0  }
0x5a: {  	s8 =	sadd.s32 s13, s3;
	[sflag:s31] =	ssyncadd.s32 $0xFFFFEC00  }
0x5b: {  	[hbm4b:s8+s22] =	stream.strided.scatter [tilespmem:s28], [sflag:$0x3], $0x400, s23, s22, $0x38;
	[tilespmem:$0x1E428] =	vst v63  }
0x5c: {  	_ =	swait.ge [sflag:s24], $0x400  }
0x5d: {  	[sflag:s24] =	ssyncset.done $0x0  }
0x5e: {  	s2 =	simm.s32 $0x1C028;
	s8 =	sadd.s32 $0x10000, s8;
	[sflag:s24] =	ssyncadd.s32 $0xFFFFFC00  }
0x5f: {  	[hbm4b:s8+s22] =	stream.strided.scatter [tilespmem:s2], [sflag:$0x3], $0x400, s23, s22, $0x38;
	[tilespmem:$0x1E428] =	vst v63  }
0x60: {  	_ =	swait.ge [sflag:s24], $0x400  }
0x61: {  	[sflag:s24] =	ssyncset.done $0x0  }
0x62: {  	s2 =	sadd.s32 s13, s9;
	[sflag:s24] =	ssyncadd.s32 $0xFFFFFC00  }
0x63: {  	[hbm4b:s2+s22] =	stream.strided.scatter [tilespmem:s6], [sflag:$0x3], $0x400, s23, s22, $0x38;
	[tilespmem:$0x1E428] =	vst v63  }
0x64: {  	_ =	swait.ge [sflag:s24], $0x400  }
0x65: {  	[sflag:s24] =	ssyncset.done $0x0  }
0x66: {  	s11 =	sadd.s32 s13, s21;
	[sflag:s24] =	ssyncadd.s32 $0xFFFFFC00  }
0x67: {  	[hbm4b:s11+s22] =	stream.strided.scatter [tilespmem:s7], [sflag:$0x3], $0x400, s23, s22, $0x38;
	[tilespmem:$0x1E428] =	vst v63  }
0x68: {  	_ =	swait.ge [sflag:s24], $0x400  }
0x69: {  	[sflag:s24] =	ssyncset.done $0x0  }
0x6a: {  	s2 =	sadd.s32 s13, s20;
	[sflag:s24] =	ssyncadd.s32 $0xFFFFFC00  }
0x6b: {  	[hbm4b:s2+s22] =	stream.strided.scatter [tilespmem:s12], [sflag:$0x3], $0x400, s23, s22, $0x38;
	[tilespmem:$0x1E428] =	vst v63  }
0x6c: {  	p1 =	seq.s32 s13, $0x280000;
	_ =	swait.ge [sflag:s24], $0x400  }
0x6d: {  	s8 =	sadd.s32 @!p1 $0xFFFFEC00, s4;
	[sflag:s24] =	ssyncset.done $0x0  }
0x6e: {  	s11 =	simm.s32 @!p1 $0x1400;
	s2 =	simm.s32 @!p1 $0x1BC28;
	[sflag:s24] =	ssyncadd.s32 $0xFFFFFC00  }
0x6f: {  	[tilespmem:s2], [sflag:$0x1] =	stream.indirect.gather @!p1 [spmem:s5], $0x1, s8, s11, $0xb8;
	[tilespmem:$0x1E428] =	vst v63  }
0x70: {  	_ =	swait.ge [sflag:s14], $0x1400  }
0x71: {  	[sflag:s14] =	ssyncset.done $0x0  }
0x72: {  	s11 =	sadd.s32 s13, s15;
	[sflag:s14] =	ssyncadd.s32 $0xFFFFEC00  }
0x73: {  	[hbm4b:s11+s22] =	stream.strided.scatter [tilespmem:s30], [sflag:$0x3], $0x400, s23, s22, $0x38;
	[tilespmem:$0x1E428] =	vst v63  }
0x74: {  	_ =	swait.ge [sflag:s24], $0x400  }
0x75: {  	[sflag:s24] =	ssyncset.done $0x0  }
0x76: {  	s8 =	sadd.s32 s13, s16;
	[sflag:s24] =	ssyncadd.s32 $0xFFFFFC00  }
0x77: {  	[hbm4b:s8+s22] =	stream.strided.scatter [tilespmem:s0], [sflag:$0x3], $0x400, s23, s22, $0x38;
	[tilespmem:$0x1E428] =	vst v63  }
0x78: {  	_ =	swait.ge [sflag:s24], $0x400  }
0x79: {  	[sflag:s24] =	ssyncset.done $0x0  }
0x7a: {  	s11 =	sadd.s32 s13, s17;
	[sflag:s24] =	ssyncadd.s32 $0xFFFFFC00  }
0x7b: {  	[hbm4b:s11+s22] =	stream.strided.scatter [tilespmem:s1], [sflag:$0x3], $0x400, s23, s22, $0x38;
	[tilespmem:$0x1E428] =	vst v63  }
0x7c: {  	_ =	swait.ge [sflag:s24], $0x400  }
0x7d: {  	[sflag:s24] =	ssyncset.done $0x0  }
0x7e: {  	s8 =	sadd.s32 s13, s18;
	[sflag:s24] =	ssyncadd.s32 $0xFFFFFC00  }
0x7f: {  	[hbm4b:s8+s22] =	stream.strided.scatter [tilespmem:s29], [sflag:$0x3], $0x400, s23, s22, $0x38;
	[tilespmem:$0x1E428] =	vst v63  }
0x80: {  	_ =	swait.ge [sflag:s24], $0x400  }
0x81: {  	[sflag:s24] =	ssyncset.done $0x0  }
.Ltmp5:
0x82: {  	s11 =	sadd.s32 s13, s19;
	[sflag:s24] =	ssyncadd.s32 $0xFFFFFC00;
	(pc) =	sbr.rel @p1 .LBB2_7-.Ltmp5, $4  }
0x83: {  	[hbm4b:s11+s22] =	stream.strided.scatter [tilespmem:s26], [sflag:$0x3], $0x400, s23, s22, $0x38;
	[tilespmem:$0x1E428] =	vst v63  }
0x84: {  	_ =	swait.ge [sflag:s24], $0x400  }
0x85: {  	[sflag:s24] =	ssyncset.done $0x0  }
0x86: {  	[sflag:s24] =	ssyncadd.s32 $0xFFFFFC00  }
.Ltmp6:
0x87: {  	(pc) =	sbr.rel .LBB2_5-.Ltmp6, $3  }
0x88: {  	_ =	sdelay $0x1  }
0x89: {  	[tilespmem:s30], [sflag:$0x2] =	stream.indirect.gather [spmem:s5], $0x1, s4, s25, $0xb8;
	[tilespmem:$0x1E428] =	vst v63  }
0x8a: {  	s4 =	sadd.s32 $0x2800, s4;
	s13 =	sadd.s32 $0xA0000, s13  }
.LBB2_8:
0x8b: {  	s10 =	simm.s32 $0x0  }
0x8c: {  	s11 =	rddreg [dreg:$0xb];
	s2 =	sand.u32 $0x1C000, s10  }
0x8d: {  	s4 =	sand.u32 $0x70, s10;
	s2 =	sadd.s32 s2, s11  }
0x8e: {  	s3 =	simm.s32 $0xF428;
	s2 =	sadd.s32 s4, s2  }
0x8f: {  	[tilespmem:s3], [sflag:$0x3] =	stream.strided.gather [hbm4b:s2+s22], $0x400, s23, s22, $0x38;
	[tilespmem:$0x1E428] =	vst v63  }
0x90: {  	s9 =	simm.s32 $0x10;
	s4 =	simm.s32 $0x800;
	_ =	swait.ge [sflag:s24], $0x400  }
.LBB2_9:
0x91: {  	s2 =	sand.u32 $0x1C000, s4;
	[sflag:s24] =	ssyncset.done $0x0  }
0x92: {  	s3 =	sadd.s32 $0x400, s3;
	s8 =	sand.u32 $0x70, s9;
	p1 =	sne.s32 s4, $0x18800  }
.Ltmp7:
0x93: {  	s2 =	sadd.s32 s2, s11;
	[sflag:s24] =	ssyncadd.s32 $0xFFFFFC00;
	(pc) =	sbr.rel @p1 .LBB2_9-.Ltmp7, $4  }
0x94: {  	s4 =	sadd.s32 $0x800, s4;
	s2 =	sadd.s32 s8, s2  }
0x95: {  	[tilespmem:s3], [sflag:$0x3] =	stream.strided.gather [hbm4b:s2+s22], $0x400, s23, s22, $0x38;
	[tilespmem:$0x1E428] =	vst v63  }
0x96: {  	_ = 	snop  }
0x97: {  	s9 =	sadd.s32 $0x10, s9;
	_ =	swait.ge [sflag:s24], $0x400  }
.Ltmp8:
0x98: {  	(pc) =	sbr.rel .LBB2_11-.Ltmp8, $3  }
0x99: {  	_ =	sdelay $0x1  }
0x9a: {  	[sflag:s24] =	ssyncset.done $0x0  }
0x9b: {  	s15 =	rddreg [dreg:$0xe];
	[sflag:s24] =	ssyncadd.s32 $0xFFFFFC00  }
.LBB2_14:
0x9c: {  	s10 =	sadd.s32 $0x1, s10  }
0x9d: {  	p1 =	sne.s32 s10, $0x10  }
.Ltmp9:
0x9e: {  	_ = 	snop;
	(pc) =	sbr.rel @!p1 .LBB2_15-.Ltmp9, $3  }
0x9f: {  	_ =	sdelay $0x1  }
0xa0: {  	s15 =	rddreg [dreg:$0x19]  }
0xa1: {  	s15 =	sadd.s32 $0x4000, s15  }
.LBB2_11:
0xa2: {  	s2 =	rddreg [dreg:$0x9]  }
0xa3: {  	s2 =	sadd.s32 s2, s10  }
0xa4: {  	s2 =	sshrl.u32 @p0 s2, $0x3  }
0xa5: {  	s3 =	sshll.u32 @p0 s10, $0x7;
	s2 =	smul.u32 @p0 $0x7A1400, s2  }
0xa6: {  	[bflag:$0x0] =	sbarrier.arrive $0xFFFF;
	s3 =	sand.u32 @p0 $0x380, s3  }
0xa7: {  	s8 =	simm.s32 @p0 $0x10;
	s9 =	simm.s32 @p0 $0x80;
	s2 =	sor.u32 @p0 s3, s2  }
0xa8: {  	s11 =	simm.s32 @p0 $0x1C03;
	s4 =	rddreg [dreg:$0x1];
	s2 =	sshrl.u32 @p0 s2, $0x3  }
0xa9: {  	s13 =	rddreg [dreg:$0x17];
	s2 =	sadd.s32 @p0 s4, s2;
	s4 =	simm.s32 @p0 $0x1  }
0xaa: {  	[spmem:s13@s8], [sflag:s11] =	dma.strided @p0 [hbm:s2@s9], $0x1E850, s4, $0x10   }
0xab: {  	s2 =	simm.s32 @p0 $0x3  }
0xac: {  	_ =	swait.ge @p0 [sflag:s2], $0x1E850  }
0xad: {  	[sflag:s2] =	ssyncset.done @p0 $0x0  }
0xae: {  	[sflag:s2] =	ssyncadd.s32 @p0 $0xFFFE17B0  }
0xaf: {  	s11 =	simm.s32 $0xF428;
	s2 =	sshll.u32 @!p0 s10, $0x7;
	[bflag:$0x0] =	sbarrier.arrive $0xFFFF  }
0xb0: {  	[tilespmem:s28], [sflag:$0x1] =	stream.indirect.gather [spmem:s5], $0x1, s11, s25, $0xb8;
	[tilespmem:$0x1E428] =	vst v63  }
0xb1: {  	s2 =	sand.u32 @!p0 $0x380, s2;
	[dreg:$0x19] =	wrdreg s15  }
0xb2: {  	s2 =	smov.u32 @p0 s3;
	s3 =	sand.u32 $0xFFFE0000, s15;
	s15 =	rddreg [dreg:$0xd]  }
0xb3: {  	s16 =	rddreg [dreg:$0xf]  }
0xb4: {  	s17 =	rddreg [dreg:$0x10]  }
0xb5: {  	s11 =	rddreg [dreg:$0x5]  }
0xb6: {  	s19 =	rddreg [dreg:$0x11]  }
0xb7: {  	s13 =	simm.s32 $0x10828;
	s20 =	rddreg [dreg:$0x12]  }
0xb8: {  	s21 =	rddreg [dreg:$0x13];
	s4 =	sadd.s32 s2, s15;
	s8 =	sadd.s32 s2, s16  }
0xb9: {  	[tilespmem:s30], [sflag:$0x2] =	stream.indirect.gather [spmem:s5], $0x1, s13, s25, $0xb8;
	[tilespmem:$0x1E428] =	vst v63  }
0xba: {  	s9 =	sadd.s32 s2, s17;
	s4 =	sadd.s32 s3, s4;
	s8 =	sadd.s32 s3, s8  }
0xbb: {  	s9 =	sadd.s32 s3, s9;
	s13 =	rddreg [dreg:$0x15];
	s4 =	sshrl.u32 s4, $0x3  }
0xbc: {  	s8 =	sshrl.u32 s8, $0x3;
	s18 =	sshrl.u32 s9, $0x3;
	s9 =	sadd.s32 s2, s21  }
0xbd: {  	s21 =	rddreg [dreg:$0xa];
	s15 =	sadd.s32 s4, s11;
	s4 =	sadd.s32 s2, s19  }
0xbe: {  	s16 =	sadd.s32 s8, s11;
	s8 =	sadd.s32 s2, s20;
	s4 =	sadd.s32 s3, s4  }
0xbf: {  	s17 =	sadd.s32 s18, s11;
	s8 =	sadd.s32 s3, s8;
	s4 =	sshrl.u32 s4, $0x3  }
0xc0: {  	s9 =	sadd.s32 s3, s9;
	s8 =	sshrl.u32 s8, $0x3;
	s18 =	sadd.s32 s4, s11  }
0xc1: {  	s19 =	sadd.s32 s8, s11;
	s8 =	sshrl.u32 s9, $0x3;
	s9 =	rddreg [dreg:$0x14]  }
0xc2: {  	s20 =	sadd.s32 s8, s11;
	s4 =	sadd.s32 s2, s9;
	s8 =	sadd.s32 s2, s13  }
0xc3: {  	s2 =	sadd.s32 s2, s21;
	s13 =	simm.s32 $0x0;
	s4 =	sadd.s32 s3, s4  }
0xc4: {  	s8 =	sadd.s32 s3, s8;
	s2 =	sadd.s32 s3, s2;
	s4 =	sshrl.u32 s4, $0x3  }
0xc5: {  	s8 =	sshrl.u32 s8, $0x3;
	s2 =	sshrl.u32 s2, $0x3;
	s21 =	sadd.s32 s4, s11  }
0xc6: {  	s9 =	sadd.s32 s8, s11;
	s3 =	sadd.s32 s2, s11;
	s4 =	simm.s32 $0x13028  }
.LBB2_12:
0xc7: {  	_ =	swait.ge [sflag:s31], $0x1400  }
0xc8: {  	[sflag:s31] =	ssyncset.done $0x0  }
0xc9: {  	s2 =	sadd.s32 s13, s3;
	[sflag:s31] =	ssyncadd.s32 $0xFFFFEC00  }
0xca: {  	[hbm4b:s2+s22] =	stream.strided.scatter [tilespmem:s28], [sflag:$0x3], $0x400, s23, s22, $0x38;
	[tilespmem:$0x1E428] =	vst v63  }
0xcb: {  	_ =	swait.ge [sflag:s24], $0x400  }
0xcc: {  	[sflag:s24] =	ssyncset.done $0x0  }
0xcd: {  	s8 =	simm.s32 $0x1C028;
	s2 =	sadd.s32 $0x10000, s2;
	[sflag:s24] =	ssyncadd.s32 $0xFFFFFC00  }
0xce: {  	[hbm4b:s2+s22] =	stream.strided.scatter [tilespmem:s8], [sflag:$0x3], $0x400, s23, s22, $0x38;
	[tilespmem:$0x1E428] =	vst v63  }
0xcf: {  	_ =	swait.ge [sflag:s24], $0x400  }
0xd0: {  	[sflag:s24] =	ssyncset.done $0x0  }
0xd1: {  	s8 =	sadd.s32 s13, s9;
	[sflag:s24] =	ssyncadd.s32 $0xFFFFFC00  }
0xd2: {  	[hbm4b:s8+s22] =	stream.strided.scatter [tilespmem:s6], [sflag:$0x3], $0x400, s23, s22, $0x38;
	[tilespmem:$0x1E428] =	vst v63  }
0xd3: {  	_ =	swait.ge [sflag:s24], $0x400  }
0xd4: {  	[sflag:s24] =	ssyncset.done $0x0  }
0xd5: {  	s11 =	sadd.s32 s13, s21;
	[sflag:s24] =	ssyncadd.s32 $0xFFFFFC00  }
0xd6: {  	[hbm4b:s11+s22] =	stream.strided.scatter [tilespmem:s7], [sflag:$0x3], $0x400, s23, s22, $0x38;
	[tilespmem:$0x1E428] =	vst v63  }
0xd7: {  	_ =	swait.ge [sflag:s24], $0x400  }
0xd8: {  	[sflag:s24] =	ssyncset.done $0x0  }
0xd9: {  	s8 =	sadd.s32 s13, s20;
	[sflag:s24] =	ssyncadd.s32 $0xFFFFFC00  }
0xda: {  	[hbm4b:s8+s22] =	stream.strided.scatter [tilespmem:s12], [sflag:$0x3], $0x400, s23, s22, $0x38;
	[tilespmem:$0x1E428] =	vst v63  }
0xdb: {  	p1 =	seq.s32 s13, $0x280000;
	_ =	swait.ge [sflag:s24], $0x400  }
0xdc: {  	s2 =	sadd.s32 @!p1 $0xFFFFEC00, s4;
	[sflag:s24] =	ssyncset.done $0x0  }
0xdd: {  	s11 =	simm.s32 @!p1 $0x1BC28;
	s8 =	simm.s32 @!p1 $0x1400;
	[sflag:s24] =	ssyncadd.s32 $0xFFFFFC00  }
0xde: {  	[tilespmem:s11], [sflag:$0x1] =	stream.indirect.gather @!p1 [spmem:s5], $0x1, s2, s8, $0xb8;
	[tilespmem:$0x1E428] =	vst v63  }
0xdf: {  	_ =	swait.ge [sflag:s14], $0x1400  }
0xe0: {  	[sflag:s14] =	ssyncset.done $0x0  }
0xe1: {  	s11 =	sadd.s32 s13, s15;
	[sflag:s14] =	ssyncadd.s32 $0xFFFFEC00  }
0xe2: {  	[hbm4b:s11+s22] =	stream.strided.scatter [tilespmem:s30], [sflag:$0x3], $0x400, s23, s22, $0x38;
	[tilespmem:$0x1E428] =	vst v63  }
0xe3: {  	_ =	swait.ge [sflag:s24], $0x400  }
0xe4: {  	[sflag:s24] =	ssyncset.done $0x0  }
0xe5: {  	s8 =	sadd.s32 s13, s16;
	[sflag:s24] =	ssyncadd.s32 $0xFFFFFC00  }
0xe6: {  	[hbm4b:s8+s22] =	stream.strided.scatter [tilespmem:s0], [sflag:$0x3], $0x400, s23, s22, $0x38;
	[tilespmem:$0x1E428] =	vst v63  }
0xe7: {  	_ =	swait.ge [sflag:s24], $0x400  }
0xe8: {  	[sflag:s24] =	ssyncset.done $0x0  }
0xe9: {  	s11 =	sadd.s32 s13, s17;
	[sflag:s24] =	ssyncadd.s32 $0xFFFFFC00  }
0xea: {  	[hbm4b:s11+s22] =	stream.strided.scatter [tilespmem:s1], [sflag:$0x3], $0x400, s23, s22, $0x38;
	[tilespmem:$0x1E428] =	vst v63  }
0xeb: {  	_ =	swait.ge [sflag:s24], $0x400  }
0xec: {  	[sflag:s24] =	ssyncset.done $0x0  }
0xed: {  	s8 =	sadd.s32 s13, s18;
	[sflag:s24] =	ssyncadd.s32 $0xFFFFFC00  }
0xee: {  	[hbm4b:s8+s22] =	stream.strided.scatter [tilespmem:s29], [sflag:$0x3], $0x400, s23, s22, $0x38;
	[tilespmem:$0x1E428] =	vst v63  }
0xef: {  	_ =	swait.ge [sflag:s24], $0x400  }
0xf0: {  	[sflag:s24] =	ssyncset.done $0x0  }
.Ltmp10:
0xf1: {  	s11 =	sadd.s32 s13, s19;
	[sflag:s24] =	ssyncadd.s32 $0xFFFFFC00;
	(pc) =	sbr.rel @p1 .LBB2_14-.Ltmp10, $4  }
0xf2: {  	[hbm4b:s11+s22] =	stream.strided.scatter [tilespmem:s26], [sflag:$0x3], $0x400, s23, s22, $0x38;
	[tilespmem:$0x1E428] =	vst v63  }
0xf3: {  	_ =	swait.ge [sflag:s24], $0x400  }
0xf4: {  	[sflag:s24] =	ssyncset.done $0x0  }
0xf5: {  	[sflag:s24] =	ssyncadd.s32 $0xFFFFFC00  }
.Ltmp11:
0xf6: {  	(pc) =	sbr.rel .LBB2_12-.Ltmp11, $3  }
0xf7: {  	_ =	sdelay $0x1  }
0xf8: {  	[tilespmem:s30], [sflag:$0x2] =	stream.indirect.gather [spmem:s5], $0x1, s4, s25, $0xb8;
	[tilespmem:$0x1E428] =	vst v63  }
0xf9: {  	s4 =	sadd.s32 $0x2800, s4;
	s13 =	sadd.s32 $0xA0000, s13  }
.LBB2_16:
0xfa: {  	_ =	sfence.sel $0x180000  }
0xfb: {  	[bflag:$0x0] =	sbarrier.arrive $0xFFFF  }
0xfc: {  	_ =	strace $0x90000047  }
0xfd: {  	s0 =	stileid.u32;
	[bflag:$0x2] =	sbarrier.arrive $0xFFFF  }
0xfe: {  	p0 =	sne.s32 s0, $0x0;
	s0 =	rddreg [dreg:$0x7]  }
0xff: {  	s0 =	sadd.s32 @!p0 $0x100000, s0  }
0x100: {  	[sflag:s0] =	ssyncadd.tile.s32 @!p0 $0x1;
	_ =	shalt  }
.Lfunc_end2:
_tile_overlayer_lowered:
.L_overlay_start_2:
0x101: {  	(tag) =	ssettag $0x2  }
0x102: {  	s0 =	rddreg [dreg:$0x0];
	s2 =	stileid.u32  }
0x103: {  	s1 =	rddreg [dreg:$0x1];
	p0 =	sne.s32 s2, $0x0  }
0x104: {  	s3 =	rddreg [dreg:$0x2];
	[bflag:$0x3] =	sbarrier.arrive $0xFFFF;
	s2 =	simm.s32 @!p0 $0x1C03  }
0x105: {  	[timem:s3], [sflag:s2] =	dma.local @!p0 [hbm:s0], s1  }
0x106: {  	s0 =	simm.s32 @!p0 $0x3  }
0x107: {  	_ =	swait.ge @!p0 [sflag:s0], s1  }
0x108: {  	s1 =	ssub.s32 @!p0 $0x0, s1;
	[sflag:s0] =	ssyncset.done @!p0 $0x0  }
0x109: {  	[sflag:s0] =	ssyncadd.s32 @!p0 s1  }
0x10a: {  	[bflag:$0x3] =	sbarrier.arrive $0xFFFF  }
0x10b: {  	_ =	shalt  }

</sc_bundles>
